<compile_context>
chip_gen: v7x
topology: tpu7x:2x2x1
jax: 0.10.2.dev20260603
libtpu: 0.0.44.dev20260713+nightly
codegen_flags: <defaults>
</compile_context>

<pallas_src>
import functools

import jax
import jax.numpy as jnp
from jax import lax
from jax.experimental import pallas as pl
from jax.experimental.pallas import tpu as pltpu
from jax.experimental.pallas import tpu_sc as plsc

D = 768
H = 3072
E = 64
T = 4096
TB = 512
NB = T // TB
OP = 80
CH = 128
HS = 512
NHS = H // HS
RS = T + E * 8 + CH
NC = 2
NS = 16
NW = NC * NS
CPW = T // NW
GW = 128
ALPHA = 0.01


def _router_body(u_ref, c_ref, idx_ref, val_ref, rank_ref, offs_ref, aux_ref,
                 mv_ref, cnt_ref, psum_ref):
    i = pl.program_id(0)

    @pl.when(i == 0)
    def _init():
        cnt_ref[...] = jnp.zeros_like(cnt_ref)
        psum_ref[...] = jnp.zeros_like(psum_ref)

    x = u_ref[...]
    c = c_ref[...]
    scores = lax.dot_general(x, c, (((1,), (1,)), ((), ())),
                             preferred_element_type=jnp.float32)
    m = jnp.max(scores, axis=1, keepdims=True)
    ex = jnp.exp(scores - m)
    s = jnp.sum(ex, axis=1, keepdims=True)
    gates = ex / s
    mx = jnp.max(gates, axis=1, keepdims=True)
    val = mx[:, 0]
    col = lax.broadcasted_iota(jnp.int32, (TB, E), 1)
    idx = jnp.min(jnp.where(gates == mx, col, E), axis=1)
    one_hot = (col == idx[:, None]).astype(jnp.float32)

    ri = lax.broadcasted_iota(jnp.int32, (TB, TB), 0)
    ci = lax.broadcasted_iota(jnp.int32, (TB, TB), 1)
    tri = (ri > ci).astype(jnp.float32)
    block_excl = lax.dot_general(tri, one_hot, (((1,), (0,)), ((), ())),
                                 preferred_element_type=jnp.float32)
    prev = cnt_ref[...]
    rank_f = jnp.sum(one_hot * (block_excl + prev), axis=1)
    cnt_ref[...] = prev + jnp.sum(one_hot, axis=0, keepdims=True)
    psum_ref[...] = psum_ref[...] + jnp.sum(one_hot * val[:, None], axis=0,
                                            keepdims=True)

    idx_ref[...] = idx.astype(jnp.int32).reshape(1, 1, TB)
    val_ref[...] = val.reshape(1, 1, TB)
    rank_ref[...] = rank_f.astype(jnp.int32).reshape(1, 1, TB)

    @pl.when(i == NB - 1)
    def _fin():
        fi = cnt_ref[...]
        ps = psum_ref[...]
        aux_ref[0, 0] = ALPHA * jnp.sum((fi * (float(E) / float(T)))
                                        * (ps / float(T)))
        perfect = float(T) / float(E)
        mv_ref[0, 0] = (jnp.max(fi) - perfect) / perfect
        fi8 = jnp.ceil(fi * 0.125) * 8.0
        er = lax.broadcasted_iota(jnp.int32, (E, OP), 0)
        jc = lax.broadcasted_iota(jnp.int32, (E, OP), 1)
        mat = (er < jc).astype(jnp.float32)
        offs = lax.dot_general(fi8, mat, (((1,), (0,)), ((), ())),
                               preferred_element_type=jnp.float32)
        offs_ref[...] = offs.astype(jnp.int32)


_route = pl.pallas_call(
    _router_body,
    grid=(NB,),
    in_specs=[
        pl.BlockSpec((TB, D), lambda i: (i, 0)),
        pl.BlockSpec((E, D), lambda i: (0, 0)),
    ],
    out_specs=(
        pl.BlockSpec((1, 1, TB), lambda i: (i, 0, 0)),
        pl.BlockSpec((1, 1, TB), lambda i: (i, 0, 0)),
        pl.BlockSpec((1, 1, TB), lambda i: (i, 0, 0)),
        pl.BlockSpec((1, OP), lambda i: (0, 0)),
        pl.BlockSpec(memory_space=pltpu.SMEM),
        pl.BlockSpec(memory_space=pltpu.SMEM),
    ),
    out_shape=(
        jax.ShapeDtypeStruct((NB, 1, TB), jnp.int32),
        jax.ShapeDtypeStruct((NB, 1, TB), jnp.float32),
        jax.ShapeDtypeStruct((NB, 1, TB), jnp.int32),
        jax.ShapeDtypeStruct((1, OP), jnp.int32),
        jax.ShapeDtypeStruct((1, 1), jnp.float32),
        jax.ShapeDtypeStruct((1, 1), jnp.float32),
    ),
    scratch_shapes=[
        pltpu.VMEM((1, E), jnp.float32),
        pltpu.VMEM((1, E), jnp.float32),
    ],
    compiler_params=pltpu.CompilerParams(dimension_semantics=("arbitrary",)),
)


_sc_cache = {}


def _get_sc_kernels():
    if "k" in _sc_cache:
        return _sc_cache["k"]

    mesh = plsc.VectorSubcoreMesh(core_axis_name="c", subcore_axis_name="s",
                                  num_cores=NC, num_subcores=NS)

    @functools.partial(
        pl.kernel,
        out_type=(
            jax.ShapeDtypeStruct((RS, D), jnp.float32),
            jax.ShapeDtypeStruct((RS, GW), jnp.float32),
            jax.ShapeDtypeStruct((T,), jnp.int32),
        ),
        mesh=mesh,
        scratch_types=[
            pltpu.VMEM((CPW,), jnp.int32),
            pltpu.VMEM((CPW,), jnp.int32),
            pltpu.VMEM((CPW,), jnp.float32),
            pltpu.VMEM((OP,), jnp.int32),
            pltpu.VMEM((CPW,), jnp.int32),
            pltpu.VMEM((CPW, D), jnp.float32),
            pltpu.VMEM((CPW, GW), jnp.float32),
            pltpu.SemaphoreType.DMA,
        ],
        compiler_params=pltpu.CompilerParams(needs_layout_passes=False),
    )
    def _dispatch(u_hbm, idx_hbm, rank_hbm, val_hbm, off_hbm,
                  us_hbm, gs_hbm, pos_hbm,
                  idx_v, rank_v, val_v, off_v, pos_v, rows_v, g_v, sem):
        w = lax.axis_index("s") * NC + lax.axis_index("c")
        base = w * CPW
        pltpu.sync_copy(idx_hbm.at[pl.ds(base, CPW)], idx_v)
        pltpu.sync_copy(rank_hbm.at[pl.ds(base, CPW)], rank_v)
        pltpu.sync_copy(val_hbm.at[pl.ds(base, CPW)], val_v)
        pltpu.sync_copy(off_hbm, off_v)
        zero16 = jnp.zeros((16,), jnp.int32)
        for i in range(CPW // 16):
            sl = pl.ds(i * 16, 16)
            e16 = idx_v[sl]
            off16 = plsc.load_gather(off_v, [e16])
            pos_v[sl] = off16 + rank_v[sl]
            rows_i = lax.iota(jnp.int32, 16) + (i * 16)
            plsc.store_scatter(g_v, [rows_i, zero16], val_v[sl])
        pltpu.sync_copy(pos_v, pos_hbm.at[pl.ds(base, CPW)])
        pltpu.sync_copy(u_hbm.at[pl.ds(base, CPW)], rows_v)
        pltpu.async_copy(rows_v, us_hbm.at[pos_v], sem).wait()
        pltpu.async_copy(g_v, gs_hbm.at[pos_v], sem).wait()

    @functools.partial(
        pl.kernel,
        out_type=jax.ShapeDtypeStruct((T, D), jnp.float32),
        mesh=mesh,
        scratch_types=[
            pltpu.VMEM((CPW,), jnp.int32),
            pltpu.VMEM((CPW, D), jnp.float32),
            pltpu.SemaphoreType.DMA,
        ],
    )
    def _combine(pos_hbm, os_hbm, out_hbm, pos_v, rows_v, sem):
        w = lax.axis_index("s") * NC + lax.axis_index("c")
        base = w * CPW
        pltpu.sync_copy(pos_hbm.at[pl.ds(base, CPW)], pos_v)
        pltpu.async_copy(os_hbm.at[pos_v], rows_v, sem).wait()
        pltpu.sync_copy(rows_v, out_hbm.at[pl.ds(base, CPW)])

    _sc_cache["k"] = (_dispatch, _combine)
    return _sc_cache["k"]


def _ffn_body(offs_ref, us_ref, gs_ref, W1_ref, b1_ref, W2_ref, b2_ref,
              out_ref, o_v, sem_o):
    e = pl.program_id(0)
    start = offs_ref[0, e]
    n = offs_ref[0, e + 1] - start
    nch = lax.div(n + (CH - 1), CH)

    def chunk(j, carry):
        base = pl.multiple_of(start + j * CH, 8)
        x = us_ref[pl.ds(base, CH), :]
        g = gs_ref[pl.ds(base, CH), 0:1]
        acc = jnp.zeros((CH, D), jnp.float32)
        for hb in range(NHS):
            w1 = W1_ref[0, :, hb * HS:(hb + 1) * HS]
            b1h = b1_ref[0, 0, hb * HS:(hb + 1) * HS]
            h = jnp.maximum(
                lax.dot_general(x, w1, (((1,), (0,)), ((), ())),
                                preferred_element_type=jnp.float32)
                + b1h[None, :], 0.0)
            w2 = W2_ref[0, hb * HS:(hb + 1) * HS, :]
            acc = acc + lax.dot_general(h, w2, (((1,), (0,)), ((), ())),
                                        preferred_element_type=jnp.float32)
        @pl.when(j > 0)
        def _drain():
            pltpu.make_async_copy(o_v, out_ref.at[pl.ds(base, CH)],
                                  sem_o).wait()

        o_v[...] = (acc + b2_ref[0, 0, :][None, :]) * g
        pltpu.make_async_copy(o_v, out_ref.at[pl.ds(base, CH)], sem_o).start()
        return carry

    lax.fori_loop(0, nch, chunk, 0)

    @pl.when(nch > 0)
    def _final_drain():
        pltpu.make_async_copy(
            o_v, out_ref.at[pl.ds(pl.multiple_of(start, 8), CH)],
            sem_o).wait()


_ffn = pl.pallas_call(
    _ffn_body,
    grid=(E,),
    in_specs=[
        pl.BlockSpec(memory_space=pltpu.SMEM),
        pl.BlockSpec((RS, D), lambda e: (0, 0)),
        pl.BlockSpec((RS, GW), lambda e: (0, 0)),
        pl.BlockSpec((1, D, H), lambda e: (e, 0, 0)),
        pl.BlockSpec((1, 1, H), lambda e: (e, 0, 0)),
        pl.BlockSpec((1, H, D), lambda e: (e, 0, 0)),
        pl.BlockSpec((1, 1, D), lambda e: (e, 0, 0)),
    ],
    out_specs=pl.BlockSpec(memory_space=pl.ANY),
    out_shape=jax.ShapeDtypeStruct((RS, D), jnp.float32),
    scratch_shapes=[
        pltpu.VMEM((CH, D), jnp.float32),
        pltpu.SemaphoreType.DMA,
    ],
    compiler_params=pltpu.CompilerParams(
        dimension_semantics=("arbitrary",),
        vmem_limit_bytes=110 * 1024 * 1024,
    ),
)


def kernel(u_t, centroids, W1, b1, W2, b2):
    Bb, Ss, dim = u_t.shape
    u_flat = u_t.reshape(Bb * Ss, dim)
    dispatch, combine = _get_sc_kernels()
    idx3, val3, rank3, offs2, aux, mv = _route(u_flat, centroids)
    idx = idx3.reshape(T)
    val = val3.reshape(T)
    rank = rank3.reshape(T)
    offs1 = offs2.reshape(OP)
    us, gs, pos = dispatch(u_flat, idx, rank, val, offs1)
    osort = _ffn(offs2, us, gs, W1, b1.reshape(E, 1, H), W2,
                 b2.reshape(E, 1, D))
    out_flat = combine(pos, osort)
    return out_flat.reshape(Bb, Ss, dim), mv[0, 0], aux[0, 0]

# --- scband reference (transcript-rebuilt; emitter-appended) ---
"""Pipeline reference for scband-mo-elayer-loss-44736379355513 (READ-ONLY COPY).

The authoritative reference and input builder live on the scoring server;
editing this copy changes nothing except your own understanding.
"""

import jax, jax.numpy as jnp
import numpy as np

DIM = 768
N_EXPERTS = 64
K = 1
B = 2
S = 2048


def setup_inputs(seed: int = 0) -> dict:
    key = jax.random.key(seed)
    k1, k2, k3, k4 = jax.random.split(key, 4)
    u_t = jax.random.normal(k1, (B, S, DIM), dtype=jnp.float32)
    centroids = jax.random.normal(k2, (N_EXPERTS, DIM), dtype=jnp.float32)
    W1 = jax.random.normal(k3, (N_EXPERTS, DIM, 4 * DIM), dtype=jnp.float32) * 0.02
    b1 = jnp.zeros((N_EXPERTS, 4 * DIM), dtype=jnp.float32)
    W2 = jax.random.normal(k4, (N_EXPERTS, 4 * DIM, DIM), dtype=jnp.float32) * 0.02
    b2 = jnp.zeros((N_EXPERTS, DIM), dtype=jnp.float32)
    return {"u_t": u_t, "centroids": centroids, "W1": W1, "b1": b1, "W2": W2, "b2": b2}


def reference(u_t, centroids, W1, b1, W2, b2):
    Bb, Ss, dim = u_t.shape
    T = Bb * Ss
    u_flat = u_t.reshape(-1, dim)
    scores = u_flat @ centroids.T
    gate_scores = jax.nn.softmax(scores, axis=-1)
    topk_vals, topk_idx = jax.lax.top_k(gate_scores, K)
    flat_idx = topk_idx.reshape(-1)
    flat_vals = topk_vals.reshape(-1)
    # aux loss (training branch)
    one_hot = jax.nn.one_hot(flat_idx, N_EXPERTS, dtype=jnp.float32)
    f_i = one_hot.sum(axis=0)
    f_i_norm = f_i * N_EXPERTS / (K * T)
    P_i = (one_hot * flat_vals[:, None]).sum(axis=0) / T
    alpha = 0.01
    aux_loss = alpha * (f_i_norm * P_i).sum()
    perfect_load = K * T / N_EXPERTS
    maxfi = jnp.max(f_i)
    maxvio = (maxfi - perfect_load) / perfect_load
    # expert dispatch
    flat_inputs = jnp.repeat(u_flat, K, axis=0)
    flat_outputs = jnp.zeros_like(flat_inputs)

    def dispatch_body(e, flat_outputs):
        mask = (flat_idx == e)[:, None]
        xs = jnp.where(mask, flat_inputs, 0.0)
        h = jnp.maximum(xs @ W1[e] + b1[e], 0.0) @ W2[e] + b2[e]
        return jnp.where(mask, h, flat_outputs)

    flat_outputs = jax.lax.fori_loop(0, N_EXPERTS, dispatch_body, flat_outputs)
    expert_outs = flat_outputs.reshape(Bb, Ss, K, dim)
    g_vals = topk_vals.reshape(Bb, Ss, K)[..., None]
    out = (g_vals * expert_outs).sum(axis=2)
    return (out, maxvio, aux_loss)

if __name__ == "__main__":
    import jax
    _d = setup_inputs()
    print(jax.jit(kernel)(*tuple(_d.values())))

</pallas_src>

<mosaic_0001>
#map = affine_map<(d0, d1) -> (0)>
#map1 = affine_map<(d0, d1) -> (0, 0)>
module attributes {stable_mosaic.version = 14 : i64} {
  func.func @_combine(%arg0: i32, %arg1: i32, %arg2: memref<4096xi32, #tpu.memory_space<hbm>>, %arg3: memref<4736x768xf32, #tpu.memory_space<hbm>>, %arg4: memref<4096x768xf32, #tpu.memory_space<hbm>>, %arg5: memref<128xi32, #tpu.memory_space<vmem>>, %arg6: memref<128x768xf32, #tpu.memory_space<vmem>>, %arg7: memref<!tpu.dma_semaphore, #tpu.memory_space<semaphore_mem>>) attributes {dimension_semantics = [#tpu.dimension_semantics<core_parallel>, #tpu.dimension_semantics<subcore_parallel>], iteration_bounds = array<i64: 2, 16>, scalar_prefetch = 0 : i64, scratch_operands = 3 : i64, tpu.core_type = #tpu.core_type<sc_vector_subcore>, window_params = [{transform_indices = #map}, {transform_indices = #map1}, {transform_indices = #map1}]} {
    %mul3A = arith.constant 2 : i32
    %mul3A_0 = arith.muli %arg1, %mul3A : i32
    %add3A = arith.addi %mul3A_0, %arg0 : i32
    %mul3A_1 = arith.constant 128 : i32
    %mul3A_2 = arith.muli %add3A, %mul3A_1 : i32
    "tpu.region"() ({
      %run_scoped3A = tpu.sem_alloc : memref<!tpu.dma_semaphore, #tpu.memory_space<semaphore_mem>>
      %dma_start3A_7 = tpu.memref_slice %arg2[%mul3A_2] : memref<4096xi32, #tpu.memory_space<hbm>> -> memref<128xi32, #tpu.memory_space<hbm>>
      %dma_start3A_8 = tpu.memref_slice %arg2[%mul3A_2] : memref<4096xi32, #tpu.memory_space<hbm>> -> memref<128xi32, #tpu.memory_space<hbm>>
      tpu.enqueue_dma source(%dma_start3A_8 : memref<128xi32, #tpu.memory_space<hbm>>) target(%arg5 : memref<128xi32, #tpu.memory_space<vmem>>) target_semaphore(%run_scoped3A : memref<!tpu.dma_semaphore, #tpu.memory_space<semaphore_mem>>)
      %dma_wait3A_9 = tpu.memref_slice %arg2[%mul3A_2] : memref<4096xi32, #tpu.memory_space<hbm>> -> memref<128xi32, #tpu.memory_space<hbm>>
      %dma_wait3A_10 = tpu.memref_slice %arg2[%mul3A_2] : memref<4096xi32, #tpu.memory_space<hbm>> -> memref<128xi32, #tpu.memory_space<hbm>>
      tpu.wait_dma2 semaphore(%run_scoped3A : memref<!tpu.dma_semaphore, #tpu.memory_space<semaphore_mem>>) src(%dma_wait3A_10 : memref<128xi32, #tpu.memory_space<hbm>>) dst(%arg5 : memref<128xi32, #tpu.memory_space<vmem>>)
      tpu.yield
    }) : () -> ()
    %dma_start3A = arith.constant 0 : i32
    %dma_start3A_3 = arith.constant 0 : i32
    %dma_start3A_4 = tpu.memref_slice %arg3[%dma_start3A, %dma_start3A_3] : memref<4736x768xf32, #tpu.memory_space<hbm>> -> memref<4736x768xf32, #tpu.memory_space<hbm>>
    tpu.enqueue_indirect_dma source(%dma_start3A_4 : memref<4736x768xf32, #tpu.memory_space<hbm>>) target(%arg6 : memref<128x768xf32, #tpu.memory_space<vmem>>) offsets(%arg5 : memref<128xi32, #tpu.memory_space<vmem>>) semaphore(%arg7 : memref<!tpu.dma_semaphore, #tpu.memory_space<semaphore_mem>>)
    %dma_wait3A = arith.constant 0 : i32
    %dma_wait3A_5 = arith.constant 0 : i32
    %dma_wait3A_6 = tpu.memref_slice %arg3[%dma_wait3A, %dma_wait3A_5] : memref<4736x768xf32, #tpu.memory_space<hbm>> -> memref<4736x768xf32, #tpu.memory_space<hbm>>
    tpu.wait_indirect_dma semaphore(%arg7 : memref<!tpu.dma_semaphore, #tpu.memory_space<semaphore_mem>>) src(%dma_wait3A_6 : memref<4736x768xf32, #tpu.memory_space<hbm>>) dst(%arg6 : memref<128x768xf32, #tpu.memory_space<vmem>>)
    "tpu.region"() ({
      %run_scoped3A = tpu.sem_alloc : memref<!tpu.dma_semaphore, #tpu.memory_space<semaphore_mem>>
      %dma_start3A_7 = arith.constant 0 : i32
      %dma_start3A_8 = tpu.memref_slice %arg4[%mul3A_2, %dma_start3A_7] : memref<4096x768xf32, #tpu.memory_space<hbm>> -> memref<128x768xf32, #tpu.memory_space<hbm>>
      %dma_start3A_9 = arith.constant 0 : i32
      %dma_start3A_10 = tpu.memref_slice %arg4[%mul3A_2, %dma_start3A_9] : memref<4096x768xf32, #tpu.memory_space<hbm>> -> memref<128x768xf32, #tpu.memory_space<hbm>>
      tpu.enqueue_dma source(%arg6 : memref<128x768xf32, #tpu.memory_space<vmem>>) target(%dma_start3A_10 : memref<128x768xf32, #tpu.memory_space<hbm>>) target_semaphore(%run_scoped3A : memref<!tpu.dma_semaphore, #tpu.memory_space<semaphore_mem>>)
      %dma_wait3A_11 = arith.constant 0 : i32
      %dma_wait3A_12 = tpu.memref_slice %arg4[%mul3A_2, %dma_wait3A_11] : memref<4096x768xf32, #tpu.memory_space<hbm>> -> memref<128x768xf32, #tpu.memory_space<hbm>>
      %dma_wait3A_13 = arith.constant 0 : i32
      %dma_wait3A_14 = tpu.memref_slice %arg4[%mul3A_2, %dma_wait3A_13] : memref<4096x768xf32, #tpu.memory_space<hbm>> -> memref<128x768xf32, #tpu.memory_space<hbm>>
      tpu.wait_dma2 semaphore(%run_scoped3A : memref<!tpu.dma_semaphore, #tpu.memory_space<semaphore_mem>>) src(%arg6 : memref<128x768xf32, #tpu.memory_space<vmem>>) dst(%dma_wait3A_14 : memref<128x768xf32, #tpu.memory_space<hbm>>)
      tpu.yield
    }) : () -> ()
    return
  }
}

#map = affine_map<(d0, d1) -> (0, 0)>
#map1 = affine_map<(d0, d1) -> (0)>
module attributes {stable_mosaic.version = 14 : i64} {
  func.func @_dispatch(%arg0: i32, %arg1: i32, %arg2: memref<4096x768xf32, #tpu.memory_space<hbm>>, %arg3: memref<4096xi32, #tpu.memory_space<hbm>>, %arg4: memref<4096xi32, #tpu.memory_space<hbm>>, %arg5: memref<4096xf32, #tpu.memory_space<hbm>>, %arg6: memref<80xi32, #tpu.memory_space<hbm>>, %arg7: memref<4736x768xf32, #tpu.memory_space<hbm>>, %arg8: memref<4736x128xf32, #tpu.memory_space<hbm>>, %arg9: memref<4096xi32, #tpu.memory_space<hbm>>, %arg10: memref<128xi32, #tpu.memory_space<vmem>>, %arg11: memref<128xi32, #tpu.memory_space<vmem>>, %arg12: memref<128xf32, #tpu.memory_space<vmem>>, %arg13: memref<80xi32, #tpu.memory_space<vmem>>, %arg14: memref<128xi32, #tpu.memory_space<vmem>>, %arg15: memref<128x768xf32, #tpu.memory_space<vmem>>, %arg16: memref<128x128xf32, #tpu.memory_space<vmem>>, %arg17: memref<!tpu.dma_semaphore, #tpu.memory_space<semaphore_mem>>) attributes {dimension_semantics = [#tpu.dimension_semantics<core_parallel>, #tpu.dimension_semantics<subcore_parallel>], iteration_bounds = array<i64: 2, 16>, scalar_prefetch = 0 : i64, scratch_operands = 8 : i64, tpu.core_type = #tpu.core_type<sc_vector_subcore>, window_params = [{transform_indices = #map}, {transform_indices = #map1}, {transform_indices = #map1}, {transform_indices = #map1}, {transform_indices = #map1}, {transform_indices = #map}, {transform_indices = #map}, {transform_indices = #map1}]} {
    %mul3A = arith.constant 2 : i32
    %mul3A_0 = arith.muli %arg1, %mul3A : i32
    %add3A = arith.addi %mul3A_0, %arg0 : i32
    %mul3A_1 = arith.constant 128 : i32
    %mul3A_2 = arith.muli %add3A, %mul3A_1 : i32
    "tpu.region"() ({
      %run_scoped3A = tpu.sem_alloc : memref<!tpu.dma_semaphore, #tpu.memory_space<semaphore_mem>>
      %dma_start3A_122 = tpu.memref_slice %arg3[%mul3A_2] : memref<4096xi32, #tpu.memory_space<hbm>> -> memref<128xi32, #tpu.memory_space<hbm>>
      %dma_start3A_123 = tpu.memref_slice %arg3[%mul3A_2] : memref<4096xi32, #tpu.memory_space<hbm>> -> memref<128xi32, #tpu.memory_space<hbm>>
      tpu.enqueue_dma source(%dma_start3A_123 : memref<128xi32, #tpu.memory_space<hbm>>) target(%arg10 : memref<128xi32, #tpu.memory_space<vmem>>) target_semaphore(%run_scoped3A : memref<!tpu.dma_semaphore, #tpu.memory_space<semaphore_mem>>)
      %dma_wait3A_124 = tpu.memref_slice %arg3[%mul3A_2] : memref<4096xi32, #tpu.memory_space<hbm>> -> memref<128xi32, #tpu.memory_space<hbm>>
      %dma_wait3A_125 = tpu.memref_slice %arg3[%mul3A_2] : memref<4096xi32, #tpu.memory_space<hbm>> -> memref<128xi32, #tpu.memory_space<hbm>>
      tpu.wait_dma2 semaphore(%run_scoped3A : memref<!tpu.dma_semaphore, #tpu.memory_space<semaphore_mem>>) src(%dma_wait3A_125 : memref<128xi32, #tpu.memory_space<hbm>>) dst(%arg10 : memref<128xi32, #tpu.memory_space<vmem>>)
      tpu.yield
    }) : () -> ()
    "tpu.region"() ({
      %run_scoped3A = tpu.sem_alloc : memref<!tpu.dma_semaphore, #tpu.memory_space<semaphore_mem>>
      %dma_start3A_122 = tpu.memref_slice %arg4[%mul3A_2] : memref<4096xi32, #tpu.memory_space<hbm>> -> memref<128xi32, #tpu.memory_space<hbm>>
      %dma_start3A_123 = tpu.memref_slice %arg4[%mul3A_2] : memref<4096xi32, #tpu.memory_space<hbm>> -> memref<128xi32, #tpu.memory_space<hbm>>
      tpu.enqueue_dma source(%dma_start3A_123 : memref<128xi32, #tpu.memory_space<hbm>>) target(%arg11 : memref<128xi32, #tpu.memory_space<vmem>>) target_semaphore(%run_scoped3A : memref<!tpu.dma_semaphore, #tpu.memory_space<semaphore_mem>>)
      %dma_wait3A_124 = tpu.memref_slice %arg4[%mul3A_2] : memref<4096xi32, #tpu.memory_space<hbm>> -> memref<128xi32, #tpu.memory_space<hbm>>
      %dma_wait3A_125 = tpu.memref_slice %arg4[%mul3A_2] : memref<4096xi32, #tpu.memory_space<hbm>> -> memref<128xi32, #tpu.memory_space<hbm>>
      tpu.wait_dma2 semaphore(%run_scoped3A : memref<!tpu.dma_semaphore, #tpu.memory_space<semaphore_mem>>) src(%dma_wait3A_125 : memref<128xi32, #tpu.memory_space<hbm>>) dst(%arg11 : memref<128xi32, #tpu.memory_space<vmem>>)
      tpu.yield
    }) : () -> ()
    "tpu.region"() ({
      %run_scoped3A = tpu.sem_alloc : memref<!tpu.dma_semaphore, #tpu.memory_space<semaphore_mem>>
      %dma_start3A_122 = tpu.memref_slice %arg5[%mul3A_2] : memref<4096xf32, #tpu.memory_space<hbm>> -> memref<128xf32, #tpu.memory_space<hbm>>
      %dma_start3A_123 = tpu.memref_slice %arg5[%mul3A_2] : memref<4096xf32, #tpu.memory_space<hbm>> -> memref<128xf32, #tpu.memory_space<hbm>>
      tpu.enqueue_dma source(%dma_start3A_123 : memref<128xf32, #tpu.memory_space<hbm>>) target(%arg12 : memref<128xf32, #tpu.memory_space<vmem>>) target_semaphore(%run_scoped3A : memref<!tpu.dma_semaphore, #tpu.memory_space<semaphore_mem>>)
      %dma_wait3A_124 = tpu.memref_slice %arg5[%mul3A_2] : memref<4096xf32, #tpu.memory_space<hbm>> -> memref<128xf32, #tpu.memory_space<hbm>>
      %dma_wait3A_125 = tpu.memref_slice %arg5[%mul3A_2] : memref<4096xf32, #tpu.memory_space<hbm>> -> memref<128xf32, #tpu.memory_space<hbm>>
      tpu.wait_dma2 semaphore(%run_scoped3A : memref<!tpu.dma_semaphore, #tpu.memory_space<semaphore_mem>>) src(%dma_wait3A_125 : memref<128xf32, #tpu.memory_space<hbm>>) dst(%arg12 : memref<128xf32, #tpu.memory_space<vmem>>)
      tpu.yield
    }) : () -> ()
    "tpu.region"() ({
      %run_scoped3A = tpu.sem_alloc : memref<!tpu.dma_semaphore, #tpu.memory_space<semaphore_mem>>
      tpu.enqueue_dma source(%arg6 : memref<80xi32, #tpu.memory_space<hbm>>) target(%arg13 : memref<80xi32, #tpu.memory_space<vmem>>) target_semaphore(%run_scoped3A : memref<!tpu.dma_semaphore, #tpu.memory_space<semaphore_mem>>)
      tpu.wait_dma2 semaphore(%run_scoped3A : memref<!tpu.dma_semaphore, #tpu.memory_space<semaphore_mem>>) src(%arg6 : memref<80xi32, #tpu.memory_space<hbm>>) dst(%arg13 : memref<80xi32, #tpu.memory_space<vmem>>)
      tpu.yield
    }) : () -> ()
    %broadcast_in_dim3A = arith.constant 0 : i32
    %broadcast_in_dim3A_3 = vector.broadcast %broadcast_in_dim3A : i32 to vector<16xi32>
    %get3A = arith.constant 0 : index
    %get3A_4 = tpu.vector_load %arg10[%get3A] {strides = array<i32>} : memref<128xi32, #tpu.memory_space<vmem>>, vector<16xi32>,
    %gather3A = tpu.vector_load_idx %arg13[%get3A_4] : memref<80xi32, #tpu.memory_space<vmem>>[vector<16xi32>], vector<16xi32>,
    %get3A_5 = arith.constant 0 : index
    %get3A_6 = tpu.vector_load %arg11[%get3A_5] {strides = array<i32>} : memref<128xi32, #tpu.memory_space<vmem>>, vector<16xi32>,
    %add3A_7 = arith.addi %gather3A, %get3A_6 : vector<16xi32>
    %swap3A = arith.constant 0 : index
    %swap3A_8 = tpu.vector_load %arg14[%swap3A] {strides = array<i32>} : memref<128xi32, #tpu.memory_space<vmem>>, vector<16xi32>,
    tpu.vector_store %arg14[%swap3A], %add3A_7 {strides = array<i32>} : memref<128xi32, #tpu.memory_space<vmem>>, vector<16xi32>,
    %iota3A = tpu.iota {dimensions = array<i32: 0>} : vector<16xi32>
    %add3A_9 = arith.constant 0 : i32
    %add3A_10 = vector.broadcast %add3A_9 : i32 to vector<16xi32>
    %add3A_11 = arith.addi %iota3A, %add3A_10 : vector<16xi32>
    %get3A_12 = arith.constant 0 : index
    %get3A_13 = tpu.vector_load %arg12[%get3A_12] {strides = array<i32>} : memref<128xf32, #tpu.memory_space<vmem>>, vector<16xf32>,
    tpu.vector_store_idx %arg16[%add3A_11, %broadcast_in_dim3A_3], %get3A_13 : memref<128x128xf32, #tpu.memory_space<vmem>>[vector<16xi32>, vector<16xi32>], vector<16xf32>,
    %get3A_14 = arith.constant 16 : index
    %get3A_15 = tpu.vector_load %arg10[%get3A_14] {strides = array<i32>} : memref<128xi32, #tpu.memory_space<vmem>>, vector<16xi32>,
    %gather3A_16 = tpu.vector_load_idx %arg13[%get3A_15] : memref<80xi32, #tpu.memory_space<vmem>>[vector<16xi32>], vector<16xi32>,
    %get3A_17 = arith.constant 16 : index
    %get3A_18 = tpu.vector_load %arg11[%get3A_17] {strides = array<i32>} : memref<128xi32, #tpu.memory_space<vmem>>, vector<16xi32>,
    %add3A_19 = arith.addi %gather3A_16, %get3A_18 : vector<16xi32>
    %swap3A_20 = arith.constant 16 : index
    %swap3A_21 = tpu.vector_load %arg14[%swap3A_20] {strides = array<i32>} : memref<128xi32, #tpu.memory_space<vmem>>, vector<16xi32>,
    tpu.vector_store %arg14[%swap3A_20], %add3A_19 {strides = array<i32>} : memref<128xi32, #tpu.memory_space<vmem>>, vector<16xi32>,
    %iota3A_22 = tpu.iota {dimensions = array<i32: 0>} : vector<16xi32>
    %add3A_23 = arith.constant 16 : i32
    %add3A_24 = vector.broadcast %add3A_23 : i32 to vector<16xi32>
    %add3A_25 = arith.addi %iota3A_22, %add3A_24 : vector<16xi32>
    %get3A_26 = arith.constant 16 : index
    %get3A_27 = tpu.vector_load %arg12[%get3A_26] {strides = array<i32>} : memref<128xf32, #tpu.memory_space<vmem>>, vector<16xf32>,
    tpu.vector_store_idx %arg16[%add3A_25, %broadcast_in_dim3A_3], %get3A_27 : memref<128x128xf32, #tpu.memory_space<vmem>>[vector<16xi32>, vector<16xi32>], vector<16xf32>,
    %get3A_28 = arith.constant 32 : index
    %get3A_29 = tpu.vector_load %arg10[%get3A_28] {strides = array<i32>} : memref<128xi32, #tpu.memory_space<vmem>>, vector<16xi32>,
    %gather3A_30 = tpu.vector_load_idx %arg13[%get3A_29] : memref<80xi32, #tpu.memory_space<vmem>>[vector<16xi32>], vector<16xi32>,
    %get3A_31 = arith.constant 32 : index
    %get3A_32 = tpu.vector_load %arg11[%get3A_31] {strides = array<i32>} : memref<128xi32, #tpu.memory_space<vmem>>, vector<16xi32>,
    %add3A_33 = arith.addi %gather3A_30, %get3A_32 : vector<16xi32>
    %swap3A_34 = arith.constant 32 : index
    %swap3A_35 = tpu.vector_load %arg14[%swap3A_34] {strides = array<i32>} : memref<128xi32, #tpu.memory_space<vmem>>, vector<16xi32>,
    tpu.vector_store %arg14[%swap3A_34], %add3A_33 {strides = array<i32>} : memref<128xi32, #tpu.memory_space<vmem>>, vector<16xi32>,
    %iota3A_36 = tpu.iota {dimensions = array<i32: 0>} : vector<16xi32>
    %add3A_37 = arith.constant 32 : i32
    %add3A_38 = vector.broadcast %add3A_37 : i32 to vector<16xi32>
    %add3A_39 = arith.addi %iota3A_36, %add3A_38 : vector<16xi32>
    %get3A_40 = arith.constant 32 : index
    %get3A_41 = tpu.vector_load %arg12[%get3A_40] {strides = array<i32>} : memref<128xf32, #tpu.memory_space<vmem>>, vector<16xf32>,
    tpu.vector_store_idx %arg16[%add3A_39, %broadcast_in_dim3A_3], %get3A_41 : memref<128x128xf32, #tpu.memory_space<vmem>>[vector<16xi32>, vector<16xi32>], vector<16xf32>,
    %get3A_42 = arith.constant 48 : index
    %get3A_43 = tpu.vector_load %arg10[%get3A_42] {strides = array<i32>} : memref<128xi32, #tpu.memory_space<vmem>>, vector<16xi32>,
    %gather3A_44 = tpu.vector_load_idx %arg13[%get3A_43] : memref<80xi32, #tpu.memory_space<vmem>>[vector<16xi32>], vector<16xi32>,
    %get3A_45 = arith.constant 48 : index
    %get3A_46 = tpu.vector_load %arg11[%get3A_45] {strides = array<i32>} : memref<128xi32, #tpu.memory_space<vmem>>, vector<16xi32>,
    %add3A_47 = arith.addi %gather3A_44, %get3A_46 : vector<16xi32>
    %swap3A_48 = arith.constant 48 : index
    %swap3A_49 = tpu.vector_load %arg14[%swap3A_48] {strides = array<i32>} : memref<128xi32, #tpu.memory_space<vmem>>, vector<16xi32>,
    tpu.vector_store %arg14[%swap3A_48], %add3A_47 {strides = array<i32>} : memref<128xi32, #tpu.memory_space<vmem>>, vector<16xi32>,
    %iota3A_50 = tpu.iota {dimensions = array<i32: 0>} : vector<16xi32>
    %add3A_51 = arith.constant 48 : i32
    %add3A_52 = vector.broadcast %add3A_51 : i32 to vector<16xi32>
    %add3A_53 = arith.addi %iota3A_50, %add3A_52 : vector<16xi32>
    %get3A_54 = arith.constant 48 : index
    %get3A_55 = tpu.vector_load %arg12[%get3A_54] {strides = array<i32>} : memref<128xf32, #tpu.memory_space<vmem>>, vector<16xf32>,
    tpu.vector_store_idx %arg16[%add3A_53, %broadcast_in_dim3A_3], %get3A_55 : memref<128x128xf32, #tpu.memory_space<vmem>>[vector<16xi32>, vector<16xi32>], vector<16xf32>,
    %get3A_56 = arith.constant 64 : index
    %get3A_57 = tpu.vector_load %arg10[%get3A_56] {strides = array<i32>} : memref<128xi32, #tpu.memory_space<vmem>>, vector<16xi32>,
    %gather3A_58 = tpu.vector_load_idx %arg13[%get3A_57] : memref<80xi32, #tpu.memory_space<vmem>>[vector<16xi32>], vector<16xi32>,
    %get3A_59 = arith.constant 64 : index
    %get3A_60 = tpu.vector_load %arg11[%get3A_59] {strides = array<i32>} : memref<128xi32, #tpu.memory_space<vmem>>, vector<16xi32>,
    %add3A_61 = arith.addi %gather3A_58, %get3A_60 : vector<16xi32>
    %swap3A_62 = arith.constant 64 : index
    %swap3A_63 = tpu.vector_load %arg14[%swap3A_62] {strides = array<i32>} : memref<128xi32, #tpu.memory_space<vmem>>, vector<16xi32>,
    tpu.vector_store %arg14[%swap3A_62], %add3A_61 {strides = array<i32>} : memref<128xi32, #tpu.memory_space<vmem>>, vector<16xi32>,
    %iota3A_64 = tpu.iota {dimensions = array<i32: 0>} : vector<16xi32>
    %add3A_65 = arith.constant 64 : i32
    %add3A_66 = vector.broadcast %add3A_65 : i32 to vector<16xi32>
    %add3A_67 = arith.addi %iota3A_64, %add3A_66 : vector<16xi32>
    %get3A_68 = arith.constant 64 : index
    %get3A_69 = tpu.vector_load %arg12[%get3A_68] {strides = array<i32>} : memref<128xf32, #tpu.memory_space<vmem>>, vector<16xf32>,
    tpu.vector_store_idx %arg16[%add3A_67, %broadcast_in_dim3A_3], %get3A_69 : memref<128x128xf32, #tpu.memory_space<vmem>>[vector<16xi32>, vector<16xi32>], vector<16xf32>,
    %get3A_70 = arith.constant 80 : index
    %get3A_71 = tpu.vector_load %arg10[%get3A_70] {strides = array<i32>} : memref<128xi32, #tpu.memory_space<vmem>>, vector<16xi32>,
    %gather3A_72 = tpu.vector_load_idx %arg13[%get3A_71] : memref<80xi32, #tpu.memory_space<vmem>>[vector<16xi32>], vector<16xi32>,
    %get3A_73 = arith.constant 80 : index
    %get3A_74 = tpu.vector_load %arg11[%get3A_73] {strides = array<i32>} : memref<128xi32, #tpu.memory_space<vmem>>, vector<16xi32>,
    %add3A_75 = arith.addi %gather3A_72, %get3A_74 : vector<16xi32>
    %swap3A_76 = arith.constant 80 : index
    %swap3A_77 = tpu.vector_load %arg14[%swap3A_76] {strides = array<i32>} : memref<128xi32, #tpu.memory_space<vmem>>, vector<16xi32>,
    tpu.vector_store %arg14[%swap3A_76], %add3A_75 {strides = array<i32>} : memref<128xi32, #tpu.memory_space<vmem>>, vector<16xi32>,
    %iota3A_78 = tpu.iota {dimensions = array<i32: 0>} : vector<16xi32>
    %add3A_79 = arith.constant 80 : i32
    %add3A_80 = vector.broadcast %add3A_79 : i32 to vector<16xi32>
    %add3A_81 = arith.addi %iota3A_78, %add3A_80 : vector<16xi32>
    %get3A_82 = arith.constant 80 : index
    %get3A_83 = tpu.vector_load %arg12[%get3A_82] {strides = array<i32>} : memref<128xf32, #tpu.memory_space<vmem>>, vector<16xf32>,
    tpu.vector_store_idx %arg16[%add3A_81, %broadcast_in_dim3A_3], %get3A_83 : memref<128x128xf32, #tpu.memory_space<vmem>>[vector<16xi32>, vector<16xi32>], vector<16xf32>,
    %get3A_84 = arith.constant 96 : index
    %get3A_85 = tpu.vector_load %arg10[%get3A_84] {strides = array<i32>} : memref<128xi32, #tpu.memory_space<vmem>>, vector<16xi32>,
    %gather3A_86 = tpu.vector_load_idx %arg13[%get3A_85] : memref<80xi32, #tpu.memory_space<vmem>>[vector<16xi32>], vector<16xi32>,
    %get3A_87 = arith.constant 96 : index
    %get3A_88 = tpu.vector_load %arg11[%get3A_87] {strides = array<i32>} : memref<128xi32, #tpu.memory_space<vmem>>, vector<16xi32>,
    %add3A_89 = arith.addi %gather3A_86, %get3A_88 : vector<16xi32>
    %swap3A_90 = arith.constant 96 : index
    %swap3A_91 = tpu.vector_load %arg14[%swap3A_90] {strides = array<i32>} : memref<128xi32, #tpu.memory_space<vmem>>, vector<16xi32>,
    tpu.vector_store %arg14[%swap3A_90], %add3A_89 {strides = array<i32>} : memref<128xi32, #tpu.memory_space<vmem>>, vector<16xi32>,
    %iota3A_92 = tpu.iota {dimensions = array<i32: 0>} : vector<16xi32>
    %add3A_93 = arith.constant 96 : i32
    %add3A_94 = vector.broadcast %add3A_93 : i32 to vector<16xi32>
    %add3A_95 = arith.addi %iota3A_92, %add3A_94 : vector<16xi32>
    %get3A_96 = arith.constant 96 : index
    %get3A_97 = tpu.vector_load %arg12[%get3A_96] {strides = array<i32>} : memref<128xf32, #tpu.memory_space<vmem>>, vector<16xf32>,
    tpu.vector_store_idx %arg16[%add3A_95, %broadcast_in_dim3A_3], %get3A_97 : memref<128x128xf32, #tpu.memory_space<vmem>>[vector<16xi32>, vector<16xi32>], vector<16xf32>,
    %get3A_98 = arith.constant 112 : index
    %get3A_99 = tpu.vector_load %arg10[%get3A_98] {strides = array<i32>} : memref<128xi32, #tpu.memory_space<vmem>>, vector<16xi32>,
    %gather3A_100 = tpu.vector_load_idx %arg13[%get3A_99] : memref<80xi32, #tpu.memory_space<vmem>>[vector<16xi32>], vector<16xi32>,
    %get3A_101 = arith.constant 112 : index
    %get3A_102 = tpu.vector_load %arg11[%get3A_101] {strides = array<i32>} : memref<128xi32, #tpu.memory_space<vmem>>, vector<16xi32>,
    %add3A_103 = arith.addi %gather3A_100, %get3A_102 : vector<16xi32>
    %swap3A_104 = arith.constant 112 : index
    %swap3A_105 = tpu.vector_load %arg14[%swap3A_104] {strides = array<i32>} : memref<128xi32, #tpu.memory_space<vmem>>, vector<16xi32>,
    tpu.vector_store %arg14[%swap3A_104], %add3A_103 {strides = array<i32>} : memref<128xi32, #tpu.memory_space<vmem>>, vector<16xi32>,
    %iota3A_106 = tpu.iota {dimensions = array<i32: 0>} : vector<16xi32>
    %add3A_107 = arith.constant 112 : i32
    %add3A_108 = vector.broadcast %add3A_107 : i32 to vector<16xi32>
    %add3A_109 = arith.addi %iota3A_106, %add3A_108 : vector<16xi32>
    %get3A_110 = arith.constant 112 : index
    %get3A_111 = tpu.vector_load %arg12[%get3A_110] {strides = array<i32>} : memref<128xf32, #tpu.memory_space<vmem>>, vector<16xf32>,
    tpu.vector_store_idx %arg16[%add3A_109, %broadcast_in_dim3A_3], %get3A_111 : memref<128x128xf32, #tpu.memory_space<vmem>>[vector<16xi32>, vector<16xi32>], vector<16xf32>,
    "tpu.region"() ({
      %run_scoped3A = tpu.sem_alloc : memref<!tpu.dma_semaphore, #tpu.memory_space<semaphore_mem>>
      %dma_start3A_122 = tpu.memref_slice %arg9[%mul3A_2] : memref<4096xi32, #tpu.memory_space<hbm>> -> memref<128xi32, #tpu.memory_space<hbm>>
      %dma_start3A_123 = tpu.memref_slice %arg9[%mul3A_2] : memref<4096xi32, #tpu.memory_space<hbm>> -> memref<128xi32, #tpu.memory_space<hbm>>
      tpu.enqueue_dma source(%arg14 : memref<128xi32, #tpu.memory_space<vmem>>) target(%dma_start3A_123 : memref<128xi32, #tpu.memory_space<hbm>>) target_semaphore(%run_scoped3A : memref<!tpu.dma_semaphore, #tpu.memory_space<semaphore_mem>>)
      %dma_wait3A_124 = tpu.memref_slice %arg9[%mul3A_2] : memref<4096xi32, #tpu.memory_space<hbm>> -> memref<128xi32, #tpu.memory_space<hbm>>
      %dma_wait3A_125 = tpu.memref_slice %arg9[%mul3A_2] : memref<4096xi32, #tpu.memory_space<hbm>> -> memref<128xi32, #tpu.memory_space<hbm>>
      tpu.wait_dma2 semaphore(%run_scoped3A : memref<!tpu.dma_semaphore, #tpu.memory_space<semaphore_mem>>) src(%arg14 : memref<128xi32, #tpu.memory_space<vmem>>) dst(%dma_wait3A_125 : memref<128xi32, #tpu.memory_space<hbm>>)
      tpu.yield
    }) : () -> ()
    "tpu.region"() ({
      %run_scoped3A = tpu.sem_alloc : memref<!tpu.dma_semaphore, #tpu.memory_space<semaphore_mem>>
      %dma_start3A_122 = arith.constant 0 : i32
      %dma_start3A_123 = tpu.memref_slice %arg2[%mul3A_2, %dma_start3A_122] : memref<4096x768xf32, #tpu.memory_space<hbm>> -> memref<128x768xf32, #tpu.memory_space<hbm>>
      %dma_start3A_124 = arith.constant 0 : i32
      %dma_start3A_125 = tpu.memref_slice %arg2[%mul3A_2, %dma_start3A_124] : memref<4096x768xf32, #tpu.memory_space<hbm>> -> memref<128x768xf32, #tpu.memory_space<hbm>>
      tpu.enqueue_dma source(%dma_start3A_125 : memref<128x768xf32, #tpu.memory_space<hbm>>) target(%arg15 : memref<128x768xf32, #tpu.memory_space<vmem>>) target_semaphore(%run_scoped3A : memref<!tpu.dma_semaphore, #tpu.memory_space<semaphore_mem>>)
      %dma_wait3A_126 = arith.constant 0 : i32
      %dma_wait3A_127 = tpu.memref_slice %arg2[%mul3A_2, %dma_wait3A_126] : memref<4096x768xf32, #tpu.memory_space<hbm>> -> memref<128x768xf32, #tpu.memory_space<hbm>>
      %dma_wait3A_128 = arith.constant 0 : i32
      %dma_wait3A_129 = tpu.memref_slice %arg2[%mul3A_2, %dma_wait3A_128] : memref<4096x768xf32, #tpu.memory_space<hbm>> -> memref<128x768xf32, #tpu.memory_space<hbm>>
      tpu.wait_dma2 semaphore(%run_scoped3A : memref<!tpu.dma_semaphore, #tpu.memory_space<semaphore_mem>>) src(%dma_wait3A_129 : memref<128x768xf32, #tpu.memory_space<hbm>>) dst(%arg15 : memref<128x768xf32, #tpu.memory_space<vmem>>)
      tpu.yield
    }) : () -> ()
    %dma_start3A = arith.constant 0 : i32
    %dma_start3A_112 = arith.constant 0 : i32
    %dma_start3A_113 = tpu.memref_slice %arg7[%dma_start3A, %dma_start3A_112] : memref<4736x768xf32, #tpu.memory_space<hbm>> -> memref<4736x768xf32, #tpu.memory_space<hbm>>
    tpu.enqueue_indirect_dma source(%arg15 : memref<128x768xf32, #tpu.memory_space<vmem>>) target(%dma_start3A_113 : memref<4736x768xf32, #tpu.memory_space<hbm>>) offsets(%arg14 : memref<128xi32, #tpu.memory_space<vmem>>) semaphore(%arg17 : memref<!tpu.dma_semaphore, #tpu.memory_space<semaphore_mem>>)
    %dma_wait3A = arith.constant 0 : i32
    %dma_wait3A_114 = arith.constant 0 : i32
    %dma_wait3A_115 = tpu.memref_slice %arg7[%dma_wait3A, %dma_wait3A_114] : memref<4736x768xf32, #tpu.memory_space<hbm>> -> memref<4736x768xf32, #tpu.memory_space<hbm>>
    tpu.wait_indirect_dma semaphore(%arg17 : memref<!tpu.dma_semaphore, #tpu.memory_space<semaphore_mem>>) src(%arg15 : memref<128x768xf32, #tpu.memory_space<vmem>>) dst(%dma_wait3A_115 : memref<4736x768xf32, #tpu.memory_space<hbm>>)
    %dma_start3A_116 = arith.constant 0 : i32
    %dma_start3A_117 = arith.constant 0 : i32
    %dma_start3A_118 = tpu.memref_slice %arg8[%dma_start3A_116, %dma_start3A_117] : memref<4736x128xf32, #tpu.memory_space<hbm>> -> memref<4736x128xf32, #tpu.memory_space<hbm>>
    tpu.enqueue_indirect_dma source(%arg16 : memref<128x128xf32, #tpu.memory_space<vmem>>) target(%dma_start3A_118 : memref<4736x128xf32, #tpu.memory_space<hbm>>) offsets(%arg14 : memref<128xi32, #tpu.memory_space<vmem>>) semaphore(%arg17 : memref<!tpu.dma_semaphore, #tpu.memory_space<semaphore_mem>>)
    %dma_wait3A_119 = arith.constant 0 : i32
    %dma_wait3A_120 = arith.constant 0 : i32
    %dma_wait3A_121 = tpu.memref_slice %arg8[%dma_wait3A_119, %dma_wait3A_120] : memref<4736x128xf32, #tpu.memory_space<hbm>> -> memref<4736x128xf32, #tpu.memory_space<hbm>>
    tpu.wait_indirect_dma semaphore(%arg17 : memref<!tpu.dma_semaphore, #tpu.memory_space<semaphore_mem>>) src(%arg16 : memref<128x128xf32, #tpu.memory_space<vmem>>) dst(%dma_wait3A_121 : memref<4736x128xf32, #tpu.memory_space<hbm>>)
    return
  }
}

module attributes {stable_mosaic.version = 14 : i64} {
  func.func @_ffn_body(%arg0: i32, %arg1: memref<1x80xi32, #tpu.memory_space<smem>>, %arg2: memref<4736x768xf32, #tpu.memory_space<vmem>>, %arg3: memref<4736x128xf32, #tpu.memory_space<vmem>>, %arg4: memref<1x768x3072xf32, #tpu.memory_space<vmem>>, %arg5: memref<1x1x3072xf32, #tpu.memory_space<vmem>>, %arg6: memref<1x3072x768xf32, #tpu.memory_space<vmem>>, %arg7: memref<1x1x768xf32, #tpu.memory_space<vmem>>, %arg8: memref<4736x768xf32, #tpu.memory_space<any>>, %arg9: memref<128x768xf32, #tpu.memory_space<vmem>>, %arg10: memref<!tpu.dma_semaphore, #tpu.memory_space<semaphore_mem>>) attributes {dimension_semantics = [#tpu.dimension_semantics<arbitrary>], iteration_bounds = array<i64: 64>, scalar_prefetch = 0 : i64, scratch_operands = 2 : i64, tpu.core_type = #tpu.core_type<tc>, window_params = [{transform_indices = @transform_0, window_bounds = array<i64: 1, 80>}, {pipeline_mode = #tpu.pipeline_mode<synchronous>, transform_indices = @transform_1, window_bounds = array<i64: 4736, 768>}, {pipeline_mode = #tpu.pipeline_mode<synchronous>, transform_indices = @transform_2, window_bounds = array<i64: 4736, 128>}, {transform_indices = @transform_3, window_bounds = array<i64: 1, 768, 3072>}, {transform_indices = @transform_4, window_bounds = array<i64: 1, 1, 3072>}, {transform_indices = @transform_5, window_bounds = array<i64: 1, 3072, 768>}, {transform_indices = @transform_6, window_bounds = array<i64: 1, 1, 768>}, {}]} {
    %get3A = arith.constant 0 : index
    %get3A_0 = arith.index_cast %arg0 : i32 to index
    %get3A_1 = memref.load %arg1[%get3A, %get3A_0] : memref<1x80xi32, #tpu.memory_space<smem>>
    %add3A = arith.constant 1 : i32
    %add3A_2 = arith.addi %arg0, %add3A : i32
    %get3A_3 = arith.constant 0 : index
    %get3A_4 = arith.index_cast %add3A_2 : i32 to index
    %get3A_5 = memref.load %arg1[%get3A_3, %get3A_4] : memref<1x80xi32, #tpu.memory_space<smem>>
    %sub3A = arith.subi %get3A_5, %get3A_1 : i32
    %add3A_6 = arith.constant 127 : i32
    %add3A_7 = arith.addi %sub3A, %add3A_6 : i32
    %div3A = arith.constant 128 : i32
    %div3A_8 = arith.divsi %add3A_7, %div3A : i32
    %while3A = arith.constant 0 : i32
    %while3A_9 = arith.constant 0 : i32
    %while3A_10 = arith.subi %div3A_8, %while3A_9 : i32
    %while3A_11 = arith.addi %while3A_9, %while3A_10 : i32
    %while3A_12 = arith.constant 1 : i32
    %while3A_13 = arith.divsi %while3A_10, %while3A_12 : i32
    %while3A_14 = arith.muli %while3A_13, %while3A_12 : i32
    %while3A_15 = arith.addi %while3A_9, %while3A_14 : i32
    %while3A_16 = arith.constant 1 : i32
    scf.for %while3A_20 = %while3A_9 to %while3A_15 step %while3A_16  : i32 {
      %mul3A = arith.constant 128 : i32
      %mul3A_21 = arith.muli %while3A_20, %mul3A : i32
      %add3A_22 = arith.addi %get3A_1, %mul3A_21 : i32
      %multiple_of3A = tpu.assume_multiple %add3A_22, 8 : i32
      %get3A_23 = arith.index_cast %multiple_of3A : i32 to index
      %get3A_24 = arith.constant 0 : index
      %get3A_25 = vector.load %arg2[%get3A_23, %get3A_24] : memref<4736x768xf32, #tpu.memory_space<vmem>>, vector<128x768xf32>
      %get3A_26 = arith.index_cast %multiple_of3A : i32 to index
      %get3A_27 = arith.constant 0 : index
      %get3A_28 = vector.load %arg3[%get3A_26, %get3A_27] : memref<4736x128xf32, #tpu.memory_space<vmem>>, vector<128x1xf32>
      %broadcast_in_dim3A = arith.constant 0.000000e+00 : f32
      %broadcast_in_dim3A_29 = vector.broadcast %broadcast_in_dim3A : f32 to vector<128x768xf32>
      %get3A_30 = arith.constant 0 : index
      %get3A_31 = arith.constant 0 : index
      %get3A_32 = arith.constant 0 : index
      %get3A_33 = vector.load %arg4[%get3A_30, %get3A_31, %get3A_32] : memref<1x768x3072xf32, #tpu.memory_space<vmem>>, vector<1x768x512xf32>
      %get3A_34 = vector.shape_cast %get3A_33 : vector<1x768x512xf32> to vector<768x512xf32>
      %get3A_35 = arith.constant 0 : index
      %get3A_36 = arith.constant 0 : index
      %get3A_37 = arith.constant 0 : index
      %get3A_38 = vector.load %arg5[%get3A_35, %get3A_36, %get3A_37] : memref<1x1x3072xf32, #tpu.memory_space<vmem>>, vector<1x1x512xf32>
      %get3A_39 = vector.shape_cast %get3A_38 : vector<1x1x512xf32> to vector<512xf32>
      %dot_general3A = arith.constant dense<0.000000e+00> : vector<128x512xf32>
      %dot_general3A_40 = tpu.matmul %get3A_25, %get3A_34, %dot_general3A {dimension_numbers = #tpu.dot_dimension_numbers<[1], [0], [0], [1], [0, 0, 1, 1], [], []>, transpose_lhs_hint = false} : vector<128x768xf32>, vector<768x512xf32>, vector<128x512xf32> -> vector<128x512xf32>
      %broadcast_in_dim3A_41 = vector.shape_cast %get3A_39 : vector<512xf32> to vector<1x512xf32>
      %add3A_42 = vector.broadcast %broadcast_in_dim3A_41 : vector<1x512xf32> to vector<128x512xf32>
      %add3A_43 = arith.addf %dot_general3A_40, %add3A_42 : vector<128x512xf32>
      %max3A = arith.constant 0.000000e+00 : f32
      %max3A_44 = vector.broadcast %max3A : f32 to vector<128x512xf32>
      %max3A_45 = arith.maximumf %add3A_43, %max3A_44 : vector<128x512xf32>
      %get3A_46 = arith.constant 0 : index
      %get3A_47 = arith.constant 0 : index
      %get3A_48 = arith.constant 0 : index
      %get3A_49 = vector.load %arg6[%get3A_46, %get3A_47, %get3A_48] : memref<1x3072x768xf32, #tpu.memory_space<vmem>>, vector<1x512x768xf32>
      %get3A_50 = vector.shape_cast %get3A_49 : vector<1x512x768xf32> to vector<512x768xf32>
      %dot_general3A_51 = arith.constant dense<0.000000e+00> : vector<128x768xf32>
      %dot_general3A_52 = tpu.matmul %max3A_45, %get3A_50, %dot_general3A_51 {dimension_numbers = #tpu.dot_dimension_numbers<[1], [0], [0], [1], [0, 0, 1, 1], [], []>, transpose_lhs_hint = false} : vector<128x512xf32>, vector<512x768xf32>, vector<128x768xf32> -> vector<128x768xf32>
      %add3A_53 = arith.addf %broadcast_in_dim3A_29, %dot_general3A_52 : vector<128x768xf32>
      %get3A_54 = arith.constant 0 : index
      %get3A_55 = arith.constant 0 : index
      %get3A_56 = arith.constant 512 : index
      %get3A_57 = vector.load %arg4[%get3A_54, %get3A_55, %get3A_56] : memref<1x768x3072xf32, #tpu.memory_space<vmem>>, vector<1x768x512xf32>
      %get3A_58 = vector.shape_cast %get3A_57 : vector<1x768x512xf32> to vector<768x512xf32>
      %get3A_59 = arith.constant 0 : index
      %get3A_60 = arith.constant 0 : index
      %get3A_61 = arith.constant 512 : index
      %get3A_62 = vector.load %arg5[%get3A_59, %get3A_60, %get3A_61] : memref<1x1x3072xf32, #tpu.memory_space<vmem>>, vector<1x1x512xf32>
      %get3A_63 = vector.shape_cast %get3A_62 : vector<1x1x512xf32> to vector<512xf32>
      %dot_general3A_64 = arith.constant dense<0.000000e+00> : vector<128x512xf32>
      %dot_general3A_65 = tpu.matmul %get3A_25, %get3A_58, %dot_general3A_64 {dimension_numbers = #tpu.dot_dimension_numbers<[1], [0], [0], [1], [0, 0, 1, 1], [], []>, transpose_lhs_hint = false} : vector<128x768xf32>, vector<768x512xf32>, vector<128x512xf32> -> vector<128x512xf32>
      %broadcast_in_dim3A_66 = vector.shape_cast %get3A_63 : vector<512xf32> to vector<1x512xf32>
      %add3A_67 = vector.broadcast %broadcast_in_dim3A_66 : vector<1x512xf32> to vector<128x512xf32>
      %add3A_68 = arith.addf %dot_general3A_65, %add3A_67 : vector<128x512xf32>
      %max3A_69 = arith.constant 0.000000e+00 : f32
      %max3A_70 = vector.broadcast %max3A_69 : f32 to vector<128x512xf32>
      %max3A_71 = arith.maximumf %add3A_68, %max3A_70 : vector<128x512xf32>
      %get3A_72 = arith.constant 0 : index
      %get3A_73 = arith.constant 512 : index
      %get3A_74 = arith.constant 0 : index
      %get3A_75 = vector.load %arg6[%get3A_72, %get3A_73, %get3A_74] : memref<1x3072x768xf32, #tpu.memory_space<vmem>>, vector<1x512x768xf32>
      %get3A_76 = vector.shape_cast %get3A_75 : vector<1x512x768xf32> to vector<512x768xf32>
      %dot_general3A_77 = arith.constant dense<0.000000e+00> : vector<128x768xf32>
      %dot_general3A_78 = tpu.matmul %max3A_71, %get3A_76, %dot_general3A_77 {dimension_numbers = #tpu.dot_dimension_numbers<[1], [0], [0], [1], [0, 0, 1, 1], [], []>, transpose_lhs_hint = false} : vector<128x512xf32>, vector<512x768xf32>, vector<128x768xf32> -> vector<128x768xf32>
      %add3A_79 = arith.addf %add3A_53, %dot_general3A_78 : vector<128x768xf32>
      %get3A_80 = arith.constant 0 : index
      %get3A_81 = arith.constant 0 : index
      %get3A_82 = arith.constant 1024 : index
      %get3A_83 = vector.load %arg4[%get3A_80, %get3A_81, %get3A_82] : memref<1x768x3072xf32, #tpu.memory_space<vmem>>, vector<1x768x512xf32>
      %get3A_84 = vector.shape_cast %get3A_83 : vector<1x768x512xf32> to vector<768x512xf32>
      %get3A_85 = arith.constant 0 : index
      %get3A_86 = arith.constant 0 : index
      %get3A_87 = arith.constant 1024 : index
      %get3A_88 = vector.load %arg5[%get3A_85, %get3A_86, %get3A_87] : memref<1x1x3072xf32, #tpu.memory_space<vmem>>, vector<1x1x512xf32>
      %get3A_89 = vector.shape_cast %get3A_88 : vector<1x1x512xf32> to vector<512xf32>
      %dot_general3A_90 = arith.constant dense<0.000000e+00> : vector<128x512xf32>
      %dot_general3A_91 = tpu.matmul %get3A_25, %get3A_84, %dot_general3A_90 {dimension_numbers = #tpu.dot_dimension_numbers<[1], [0], [0], [1], [0, 0, 1, 1], [], []>, transpose_lhs_hint = false} : vector<128x768xf32>, vector<768x512xf32>, vector<128x512xf32> -> vector<128x512xf32>
      %broadcast_in_dim3A_92 = vector.shape_cast %get3A_89 : vector<512xf32> to vector<1x512xf32>
      %add3A_93 = vector.broadcast %broadcast_in_dim3A_92 : vector<1x512xf32> to vector<128x512xf32>
      %add3A_94 = arith.addf %dot_general3A_91, %add3A_93 : vector<128x512xf32>
      %max3A_95 = arith.constant 0.000000e+00 : f32
      %max3A_96 = vector.broadcast %max3A_95 : f32 to vector<128x512xf32>
      %max3A_97 = arith.maximumf %add3A_94, %max3A_96 : vector<128x512xf32>
      %get3A_98 = arith.constant 0 : index
      %get3A_99 = arith.constant 1024 : index
      %get3A_100 = arith.constant 0 : index
      %get3A_101 = vector.load %arg6[%get3A_98, %get3A_99, %get3A_100] : memref<1x3072x768xf32, #tpu.memory_space<vmem>>, vector<1x512x768xf32>
      %get3A_102 = vector.shape_cast %get3A_101 : vector<1x512x768xf32> to vector<512x768xf32>
      %dot_general3A_103 = arith.constant dense<0.000000e+00> : vector<128x768xf32>
      %dot_general3A_104 = tpu.matmul %max3A_97, %get3A_102, %dot_general3A_103 {dimension_numbers = #tpu.dot_dimension_numbers<[1], [0], [0], [1], [0, 0, 1, 1], [], []>, transpose_lhs_hint = false} : vector<128x512xf32>, vector<512x768xf32>, vector<128x768xf32> -> vector<128x768xf32>
      %add3A_105 = arith.addf %add3A_79, %dot_general3A_104 : vector<128x768xf32>
      %get3A_106 = arith.constant 0 : index
      %get3A_107 = arith.constant 0 : index
      %get3A_108 = arith.constant 1536 : index
      %get3A_109 = vector.load %arg4[%get3A_106, %get3A_107, %get3A_108] : memref<1x768x3072xf32, #tpu.memory_space<vmem>>, vector<1x768x512xf32>
      %get3A_110 = vector.shape_cast %get3A_109 : vector<1x768x512xf32> to vector<768x512xf32>
      %get3A_111 = arith.constant 0 : index
      %get3A_112 = arith.constant 0 : index
      %get3A_113 = arith.constant 1536 : index
      %get3A_114 = vector.load %arg5[%get3A_111, %get3A_112, %get3A_113] : memref<1x1x3072xf32, #tpu.memory_space<vmem>>, vector<1x1x512xf32>
      %get3A_115 = vector.shape_cast %get3A_114 : vector<1x1x512xf32> to vector<512xf32>
      %dot_general3A_116 = arith.constant dense<0.000000e+00> : vector<128x512xf32>
      %dot_general3A_117 = tpu.matmul %get3A_25, %get3A_110, %dot_general3A_116 {dimension_numbers = #tpu.dot_dimension_numbers<[1], [0], [0], [1], [0, 0, 1, 1], [], []>, transpose_lhs_hint = false} : vector<128x768xf32>, vector<768x512xf32>, vector<128x512xf32> -> vector<128x512xf32>
      %broadcast_in_dim3A_118 = vector.shape_cast %get3A_115 : vector<512xf32> to vector<1x512xf32>
      %add3A_119 = vector.broadcast %broadcast_in_dim3A_118 : vector<1x512xf32> to vector<128x512xf32>
      %add3A_120 = arith.addf %dot_general3A_117, %add3A_119 : vector<128x512xf32>
      %max3A_121 = arith.constant 0.000000e+00 : f32
      %max3A_122 = vector.broadcast %max3A_121 : f32 to vector<128x512xf32>
      %max3A_123 = arith.maximumf %add3A_120, %max3A_122 : vector<128x512xf32>
      %get3A_124 = arith.constant 0 : index
      %get3A_125 = arith.constant 1536 : index
      %get3A_126 = arith.constant 0 : index
      %get3A_127 = vector.load %arg6[%get3A_124, %get3A_125, %get3A_126] : memref<1x3072x768xf32, #tpu.memory_space<vmem>>, vector<1x512x768xf32>
      %get3A_128 = vector.shape_cast %get3A_127 : vector<1x512x768xf32> to vector<512x768xf32>
      %dot_general3A_129 = arith.constant dense<0.000000e+00> : vector<128x768xf32>
      %dot_general3A_130 = tpu.matmul %max3A_123, %get3A_128, %dot_general3A_129 {dimension_numbers = #tpu.dot_dimension_numbers<[1], [0], [0], [1], [0, 0, 1, 1], [], []>, transpose_lhs_hint = false} : vector<128x512xf32>, vector<512x768xf32>, vector<128x768xf32> -> vector<128x768xf32>
      %add3A_131 = arith.addf %add3A_105, %dot_general3A_130 : vector<128x768xf32>
      %get3A_132 = arith.constant 0 : index
      %get3A_133 = arith.constant 0 : index
      %get3A_134 = arith.constant 2048 : index
      %get3A_135 = vector.load %arg4[%get3A_132, %get3A_133, %get3A_134] : memref<1x768x3072xf32, #tpu.memory_space<vmem>>, vector<1x768x512xf32>
      %get3A_136 = vector.shape_cast %get3A_135 : vector<1x768x512xf32> to vector<768x512xf32>
      %get3A_137 = arith.constant 0 : index
      %get3A_138 = arith.constant 0 : index
      %get3A_139 = arith.constant 2048 : index
      %get3A_140 = vector.load %arg5[%get3A_137, %get3A_138, %get3A_139] : memref<1x1x3072xf32, #tpu.memory_space<vmem>>, vector<1x1x512xf32>
      %get3A_141 = vector.shape_cast %get3A_140 : vector<1x1x512xf32> to vector<512xf32>
      %dot_general3A_142 = arith.constant dense<0.000000e+00> : vector<128x512xf32>
      %dot_general3A_143 = tpu.matmul %get3A_25, %get3A_136, %dot_general3A_142 {dimension_numbers = #tpu.dot_dimension_numbers<[1], [0], [0], [1], [0, 0, 1, 1], [], []>, transpose_lhs_hint = false} : vector<128x768xf32>, vector<768x512xf32>, vector<128x512xf32> -> vector<128x512xf32>
      %broadcast_in_dim3A_144 = vector.shape_cast %get3A_141 : vector<512xf32> to vector<1x512xf32>
      %add3A_145 = vector.broadcast %broadcast_in_dim3A_144 : vector<1x512xf32> to vector<128x512xf32>
      %add3A_146 = arith.addf %dot_general3A_143, %add3A_145 : vector<128x512xf32>
      %max3A_147 = arith.constant 0.000000e+00 : f32
      %max3A_148 = vector.broadcast %max3A_147 : f32 to vector<128x512xf32>
      %max3A_149 = arith.maximumf %add3A_146, %max3A_148 : vector<128x512xf32>
      %get3A_150 = arith.constant 0 : index
      %get3A_151 = arith.constant 2048 : index
      %get3A_152 = arith.constant 0 : index
      %get3A_153 = vector.load %arg6[%get3A_150, %get3A_151, %get3A_152] : memref<1x3072x768xf32, #tpu.memory_space<vmem>>, vector<1x512x768xf32>
      %get3A_154 = vector.shape_cast %get3A_153 : vector<1x512x768xf32> to vector<512x768xf32>
      %dot_general3A_155 = arith.constant dense<0.000000e+00> : vector<128x768xf32>
      %dot_general3A_156 = tpu.matmul %max3A_149, %get3A_154, %dot_general3A_155 {dimension_numbers = #tpu.dot_dimension_numbers<[1], [0], [0], [1], [0, 0, 1, 1], [], []>, transpose_lhs_hint = false} : vector<128x512xf32>, vector<512x768xf32>, vector<128x768xf32> -> vector<128x768xf32>
      %add3A_157 = arith.addf %add3A_131, %dot_general3A_156 : vector<128x768xf32>
      %get3A_158 = arith.constant 0 : index
      %get3A_159 = arith.constant 0 : index
      %get3A_160 = arith.constant 2560 : index
      %get3A_161 = vector.load %arg4[%get3A_158, %get3A_159, %get3A_160] : memref<1x768x3072xf32, #tpu.memory_space<vmem>>, vector<1x768x512xf32>
      %get3A_162 = vector.shape_cast %get3A_161 : vector<1x768x512xf32> to vector<768x512xf32>
      %get3A_163 = arith.constant 0 : index
      %get3A_164 = arith.constant 0 : index
      %get3A_165 = arith.constant 2560 : index
      %get3A_166 = vector.load %arg5[%get3A_163, %get3A_164, %get3A_165] : memref<1x1x3072xf32, #tpu.memory_space<vmem>>, vector<1x1x512xf32>
      %get3A_167 = vector.shape_cast %get3A_166 : vector<1x1x512xf32> to vector<512xf32>
      %dot_general3A_168 = arith.constant dense<0.000000e+00> : vector<128x512xf32>
      %dot_general3A_169 = tpu.matmul %get3A_25, %get3A_162, %dot_general3A_168 {dimension_numbers = #tpu.dot_dimension_numbers<[1], [0], [0], [1], [0, 0, 1, 1], [], []>, transpose_lhs_hint = false} : vector<128x768xf32>, vector<768x512xf32>, vector<128x512xf32> -> vector<128x512xf32>
      %broadcast_in_dim3A_170 = vector.shape_cast %get3A_167 : vector<512xf32> to vector<1x512xf32>
      %add3A_171 = vector.broadcast %broadcast_in_dim3A_170 : vector<1x512xf32> to vector<128x512xf32>
      %add3A_172 = arith.addf %dot_general3A_169, %add3A_171 : vector<128x512xf32>
      %max3A_173 = arith.constant 0.000000e+00 : f32
      %max3A_174 = vector.broadcast %max3A_173 : f32 to vector<128x512xf32>
      %max3A_175 = arith.maximumf %add3A_172, %max3A_174 : vector<128x512xf32>
      %get3A_176 = arith.constant 0 : index
      %get3A_177 = arith.constant 2560 : index
      %get3A_178 = arith.constant 0 : index
      %get3A_179 = vector.load %arg6[%get3A_176, %get3A_177, %get3A_178] : memref<1x3072x768xf32, #tpu.memory_space<vmem>>, vector<1x512x768xf32>
      %get3A_180 = vector.shape_cast %get3A_179 : vector<1x512x768xf32> to vector<512x768xf32>
      %dot_general3A_181 = arith.constant dense<0.000000e+00> : vector<128x768xf32>
      %dot_general3A_182 = tpu.matmul %max3A_175, %get3A_180, %dot_general3A_181 {dimension_numbers = #tpu.dot_dimension_numbers<[1], [0], [0], [1], [0, 0, 1, 1], [], []>, transpose_lhs_hint = false} : vector<128x512xf32>, vector<512x768xf32>, vector<128x768xf32> -> vector<128x768xf32>
      %add3A_183 = arith.addf %add3A_157, %dot_general3A_182 : vector<128x768xf32>
      %gt3A_184 = arith.constant 0 : i32
      %gt3A_185 = arith.cmpi sgt, %while3A_20, %gt3A_184 : i32
      %convert_element_type3A_186 = arith.extui %gt3A_185 : i1 to i32
      %cond3A_187 = arith.constant 0 : i32
      %cond3A_188 = arith.cmpi ne, %convert_element_type3A_186, %cond3A_187 : i32
      scf.if %cond3A_188 {
        %dma_wait3A = arith.constant 0 : i32
        %dma_wait3A_202 = tpu.memref_slice %arg8[%multiple_of3A, %dma_wait3A] : memref<4736x768xf32, #tpu.memory_space<any>> -> memref<128x768xf32, #tpu.memory_space<any>>
        tpu.wait_dma2 semaphore(%arg10 : memref<!tpu.dma_semaphore, #tpu.memory_space<semaphore_mem>>) src(%arg9 : memref<128x768xf32, #tpu.memory_space<vmem>>) dst(%dma_wait3A_202 : memref<128x768xf32, #tpu.memory_space<any>>)
      } else {
      }
      %get3A_189 = arith.constant 0 : index
      %get3A_190 = arith.constant 0 : index
      %get3A_191 = arith.constant 0 : index
      %get3A_192 = vector.load %arg7[%get3A_189, %get3A_190, %get3A_191] : memref<1x1x768xf32, #tpu.memory_space<vmem>>, vector<1x1x768xf32>
      %get3A_193 = vector.shape_cast %get3A_192 : vector<1x1x768xf32> to vector<768xf32>
      %broadcast_in_dim3A_194 = vector.shape_cast %get3A_193 : vector<768xf32> to vector<1x768xf32>
      %add3A_195 = vector.broadcast %broadcast_in_dim3A_194 : vector<1x768xf32> to vector<128x768xf32>
      %add3A_196 = arith.addf %add3A_183, %add3A_195 : vector<128x768xf32>
      %mul3A_197 = vector.broadcast %get3A_28 : vector<128x1xf32> to vector<128x768xf32>
      %mul3A_198 = arith.mulf %add3A_196, %mul3A_197 : vector<128x768xf32>
      %swap3A = arith.constant 0 : index
      %swap3A_199 = arith.constant 0 : index
      %swap3A_200 = vector.load %arg9[%swap3A, %swap3A_199] : memref<128x768xf32, #tpu.memory_space<vmem>>, vector<128x768xf32>
      tpu.vector_store %arg9[%swap3A, %swap3A_199], %mul3A_198 {strides = array<i32>} : memref<128x768xf32, #tpu.memory_space<vmem>>, vector<128x768xf32>,
      %dma_start3A = arith.constant 0 : i32
      %dma_start3A_201 = tpu.memref_slice %arg8[%multiple_of3A, %dma_start3A] : memref<4736x768xf32, #tpu.memory_space<any>> -> memref<128x768xf32, #tpu.memory_space<any>>
      tpu.enqueue_dma source(%arg9 : memref<128x768xf32, #tpu.memory_space<vmem>>) target(%dma_start3A_201 : memref<128x768xf32, #tpu.memory_space<any>>) target_semaphore(%arg10 : memref<!tpu.dma_semaphore, #tpu.memory_space<semaphore_mem>>)
    }
    %while3A_17 = arith.constant 1 : i32
    scf.for %while3A_20 = %while3A_15 to %while3A_11 step %while3A_17  : i32 {
      %mul3A = arith.constant 128 : i32
      %mul3A_21 = arith.muli %while3A_20, %mul3A : i32
      %add3A_22 = arith.addi %get3A_1, %mul3A_21 : i32
      %multiple_of3A = tpu.assume_multiple %add3A_22, 8 : i32
      %get3A_23 = arith.index_cast %multiple_of3A : i32 to index
      %get3A_24 = arith.constant 0 : index
      %get3A_25 = vector.load %arg2[%get3A_23, %get3A_24] : memref<4736x768xf32, #tpu.memory_space<vmem>>, vector<128x768xf32>
      %get3A_26 = arith.index_cast %multiple_of3A : i32 to index
      %get3A_27 = arith.constant 0 : index
      %get3A_28 = vector.load %arg3[%get3A_26, %get3A_27] : memref<4736x128xf32, #tpu.memory_space<vmem>>, vector<128x1xf32>
      %broadcast_in_dim3A = arith.constant 0.000000e+00 : f32
      %broadcast_in_dim3A_29 = vector.broadcast %broadcast_in_dim3A : f32 to vector<128x768xf32>
      %get3A_30 = arith.constant 0 : index
      %get3A_31 = arith.constant 0 : index
      %get3A_32 = arith.constant 0 : index
      %get3A_33 = vector.load %arg4[%get3A_30, %get3A_31, %get3A_32] : memref<1x768x3072xf32, #tpu.memory_space<vmem>>, vector<1x768x512xf32>
      %get3A_34 = vector.shape_cast %get3A_33 : vector<1x768x512xf32> to vector<768x512xf32>
      %get3A_35 = arith.constant 0 : index
      %get3A_36 = arith.constant 0 : index
      %get3A_37 = arith.constant 0 : index
      %get3A_38 = vector.load %arg5[%get3A_35, %get3A_36, %get3A_37] : memref<1x1x3072xf32, #tpu.memory_space<vmem>>, vector<1x1x512xf32>
      %get3A_39 = vector.shape_cast %get3A_38 : vector<1x1x512xf32> to vector<512xf32>
      %dot_general3A = arith.constant dense<0.000000e+00> : vector<128x512xf32>
      %dot_general3A_40 = tpu.matmul %get3A_25, %get3A_34, %dot_general3A {dimension_numbers = #tpu.dot_dimension_numbers<[1], [0], [0], [1], [0, 0, 1, 1], [], []>, transpose_lhs_hint = false} : vector<128x768xf32>, vector<768x512xf32>, vector<128x512xf32> -> vector<128x512xf32>
      %broadcast_in_dim3A_41 = vector.shape_cast %get3A_39 : vector<512xf32> to vector<1x512xf32>
      %add3A_42 = vector.broadcast %broadcast_in_dim3A_41 : vector<1x512xf32> to vector<128x512xf32>
      %add3A_43 = arith.addf %dot_general3A_40, %add3A_42 : vector<128x512xf32>
      %max3A = arith.constant 0.000000e+00 : f32
      %max3A_44 = vector.broadcast %max3A : f32 to vector<128x512xf32>
      %max3A_45 = arith.maximumf %add3A_43, %max3A_44 : vector<128x512xf32>
      %get3A_46 = arith.constant 0 : index
      %get3A_47 = arith.constant 0 : index
      %get3A_48 = arith.constant 0 : index
      %get3A_49 = vector.load %arg6[%get3A_46, %get3A_47, %get3A_48] : memref<1x3072x768xf32, #tpu.memory_space<vmem>>, vector<1x512x768xf32>
      %get3A_50 = vector.shape_cast %get3A_49 : vector<1x512x768xf32> to vector<512x768xf32>
      %dot_general3A_51 = arith.constant dense<0.000000e+00> : vector<128x768xf32>
      %dot_general3A_52 = tpu.matmul %max3A_45, %get3A_50, %dot_general3A_51 {dimension_numbers = #tpu.dot_dimension_numbers<[1], [0], [0], [1], [0, 0, 1, 1], [], []>, transpose_lhs_hint = false} : vector<128x512xf32>, vector<512x768xf32>, vector<128x768xf32> -> vector<128x768xf32>
      %add3A_53 = arith.addf %broadcast_in_dim3A_29, %dot_general3A_52 : vector<128x768xf32>
      %get3A_54 = arith.constant 0 : index
      %get3A_55 = arith.constant 0 : index
      %get3A_56 = arith.constant 512 : index
      %get3A_57 = vector.load %arg4[%get3A_54, %get3A_55, %get3A_56] : memref<1x768x3072xf32, #tpu.memory_space<vmem>>, vector<1x768x512xf32>
      %get3A_58 = vector.shape_cast %get3A_57 : vector<1x768x512xf32> to vector<768x512xf32>
      %get3A_59 = arith.constant 0 : index
      %get3A_60 = arith.constant 0 : index
      %get3A_61 = arith.constant 512 : index
      %get3A_62 = vector.load %arg5[%get3A_59, %get3A_60, %get3A_61] : memref<1x1x3072xf32, #tpu.memory_space<vmem>>, vector<1x1x512xf32>
      %get3A_63 = vector.shape_cast %get3A_62 : vector<1x1x512xf32> to vector<512xf32>
      %dot_general3A_64 = arith.constant dense<0.000000e+00> : vector<128x512xf32>
      %dot_general3A_65 = tpu.matmul %get3A_25, %get3A_58, %dot_general3A_64 {dimension_numbers = #tpu.dot_dimension_numbers<[1], [0], [0], [1], [0, 0, 1, 1], [], []>, transpose_lhs_hint = false} : vector<128x768xf32>, vector<768x512xf32>, vector<128x512xf32> -> vector<128x512xf32>
      %broadcast_in_dim3A_66 = vector.shape_cast %get3A_63 : vector<512xf32> to vector<1x512xf32>
      %add3A_67 = vector.broadcast %broadcast_in_dim3A_66 : vector<1x512xf32> to vector<128x512xf32>
      %add3A_68 = arith.addf %dot_general3A_65, %add3A_67 : vector<128x512xf32>
      %max3A_69 = arith.constant 0.000000e+00 : f32
      %max3A_70 = vector.broadcast %max3A_69 : f32 to vector<128x512xf32>
      %max3A_71 = arith.maximumf %add3A_68, %max3A_70 : vector<128x512xf32>
      %get3A_72 = arith.constant 0 : index
      %get3A_73 = arith.constant 512 : index
      %get3A_74 = arith.constant 0 : index
      %get3A_75 = vector.load %arg6[%get3A_72, %get3A_73, %get3A_74] : memref<1x3072x768xf32, #tpu.memory_space<vmem>>, vector<1x512x768xf32>
      %get3A_76 = vector.shape_cast %get3A_75 : vector<1x512x768xf32> to vector<512x768xf32>
      %dot_general3A_77 = arith.constant dense<0.000000e+00> : vector<128x768xf32>
      %dot_general3A_78 = tpu.matmul %max3A_71, %get3A_76, %dot_general3A_77 {dimension_numbers = #tpu.dot_dimension_numbers<[1], [0], [0], [1], [0, 0, 1, 1], [], []>, transpose_lhs_hint = false} : vector<128x512xf32>, vector<512x768xf32>, vector<128x768xf32> -> vector<128x768xf32>
      %add3A_79 = arith.addf %add3A_53, %dot_general3A_78 : vector<128x768xf32>
      %get3A_80 = arith.constant 0 : index
      %get3A_81 = arith.constant 0 : index
      %get3A_82 = arith.constant 1024 : index
      %get3A_83 = vector.load %arg4[%get3A_80, %get3A_81, %get3A_82] : memref<1x768x3072xf32, #tpu.memory_space<vmem>>, vector<1x768x512xf32>
      %get3A_84 = vector.shape_cast %get3A_83 : vector<1x768x512xf32> to vector<768x512xf32>
      %get3A_85 = arith.constant 0 : index
      %get3A_86 = arith.constant 0 : index
      %get3A_87 = arith.constant 1024 : index
      %get3A_88 = vector.load %arg5[%get3A_85, %get3A_86, %get3A_87] : memref<1x1x3072xf32, #tpu.memory_space<vmem>>, vector<1x1x512xf32>
      %get3A_89 = vector.shape_cast %get3A_88 : vector<1x1x512xf32> to vector<512xf32>
      %dot_general3A_90 = arith.constant dense<0.000000e+00> : vector<128x512xf32>
      %dot_general3A_91 = tpu.matmul %get3A_25, %get3A_84, %dot_general3A_90 {dimension_numbers = #tpu.dot_dimension_numbers<[1], [0], [0], [1], [0, 0, 1, 1], [], []>, transpose_lhs_hint = false} : vector<128x768xf32>, vector<768x512xf32>, vector<128x512xf32> -> vector<128x512xf32>
      %broadcast_in_dim3A_92 = vector.shape_cast %get3A_89 : vector<512xf32> to vector<1x512xf32>
      %add3A_93 = vector.broadcast %broadcast_in_dim3A_92 : vector<1x512xf32> to vector<128x512xf32>
      %add3A_94 = arith.addf %dot_general3A_91, %add3A_93 : vector<128x512xf32>
      %max3A_95 = arith.constant 0.000000e+00 : f32
      %max3A_96 = vector.broadcast %max3A_95 : f32 to vector<128x512xf32>
      %max3A_97 = arith.maximumf %add3A_94, %max3A_96 : vector<128x512xf32>
      %get3A_98 = arith.constant 0 : index
      %get3A_99 = arith.constant 1024 : index
      %get3A_100 = arith.constant 0 : index
      %get3A_101 = vector.load %arg6[%get3A_98, %get3A_99, %get3A_100] : memref<1x3072x768xf32, #tpu.memory_space<vmem>>, vector<1x512x768xf32>
      %get3A_102 = vector.shape_cast %get3A_101 : vector<1x512x768xf32> to vector<512x768xf32>
      %dot_general3A_103 = arith.constant dense<0.000000e+00> : vector<128x768xf32>
      %dot_general3A_104 = tpu.matmul %max3A_97, %get3A_102, %dot_general3A_103 {dimension_numbers = #tpu.dot_dimension_numbers<[1], [0], [0], [1], [0, 0, 1, 1], [], []>, transpose_lhs_hint = false} : vector<128x512xf32>, vector<512x768xf32>, vector<128x768xf32> -> vector<128x768xf32>
      %add3A_105 = arith.addf %add3A_79, %dot_general3A_104 : vector<128x768xf32>
      %get3A_106 = arith.constant 0 : index
      %get3A_107 = arith.constant 0 : index
      %get3A_108 = arith.constant 1536 : index
      %get3A_109 = vector.load %arg4[%get3A_106, %get3A_107, %get3A_108] : memref<1x768x3072xf32, #tpu.memory_space<vmem>>, vector<1x768x512xf32>
      %get3A_110 = vector.shape_cast %get3A_109 : vector<1x768x512xf32> to vector<768x512xf32>
      %get3A_111 = arith.constant 0 : index
      %get3A_112 = arith.constant 0 : index
      %get3A_113 = arith.constant 1536 : index
      %get3A_114 = vector.load %arg5[%get3A_111, %get3A_112, %get3A_113] : memref<1x1x3072xf32, #tpu.memory_space<vmem>>, vector<1x1x512xf32>
      %get3A_115 = vector.shape_cast %get3A_114 : vector<1x1x512xf32> to vector<512xf32>
      %dot_general3A_116 = arith.constant dense<0.000000e+00> : vector<128x512xf32>
      %dot_general3A_117 = tpu.matmul %get3A_25, %get3A_110, %dot_general3A_116 {dimension_numbers = #tpu.dot_dimension_numbers<[1], [0], [0], [1], [0, 0, 1, 1], [], []>, transpose_lhs_hint = false} : vector<128x768xf32>, vector<768x512xf32>, vector<128x512xf32> -> vector<128x512xf32>
      %broadcast_in_dim3A_118 = vector.shape_cast %get3A_115 : vector<512xf32> to vector<1x512xf32>
      %add3A_119 = vector.broadcast %broadcast_in_dim3A_118 : vector<1x512xf32> to vector<128x512xf32>
      %add3A_120 = arith.addf %dot_general3A_117, %add3A_119 : vector<128x512xf32>
      %max3A_121 = arith.constant 0.000000e+00 : f32
      %max3A_122 = vector.broadcast %max3A_121 : f32 to vector<128x512xf32>
      %max3A_123 = arith.maximumf %add3A_120, %max3A_122 : vector<128x512xf32>
      %get3A_124 = arith.constant 0 : index
      %get3A_125 = arith.constant 1536 : index
      %get3A_126 = arith.constant 0 : index
      %get3A_127 = vector.load %arg6[%get3A_124, %get3A_125, %get3A_126] : memref<1x3072x768xf32, #tpu.memory_space<vmem>>, vector<1x512x768xf32>
      %get3A_128 = vector.shape_cast %get3A_127 : vector<1x512x768xf32> to vector<512x768xf32>
      %dot_general3A_129 = arith.constant dense<0.000000e+00> : vector<128x768xf32>
      %dot_general3A_130 = tpu.matmul %max3A_123, %get3A_128, %dot_general3A_129 {dimension_numbers = #tpu.dot_dimension_numbers<[1], [0], [0], [1], [0, 0, 1, 1], [], []>, transpose_lhs_hint = false} : vector<128x512xf32>, vector<512x768xf32>, vector<128x768xf32> -> vector<128x768xf32>
      %add3A_131 = arith.addf %add3A_105, %dot_general3A_130 : vector<128x768xf32>
      %get3A_132 = arith.constant 0 : index
      %get3A_133 = arith.constant 0 : index
      %get3A_134 = arith.constant 2048 : index
      %get3A_135 = vector.load %arg4[%get3A_132, %get3A_133, %get3A_134] : memref<1x768x3072xf32, #tpu.memory_space<vmem>>, vector<1x768x512xf32>
      %get3A_136 = vector.shape_cast %get3A_135 : vector<1x768x512xf32> to vector<768x512xf32>
      %get3A_137 = arith.constant 0 : index
      %get3A_138 = arith.constant 0 : index
      %get3A_139 = arith.constant 2048 : index
      %get3A_140 = vector.load %arg5[%get3A_137, %get3A_138, %get3A_139] : memref<1x1x3072xf32, #tpu.memory_space<vmem>>, vector<1x1x512xf32>
      %get3A_141 = vector.shape_cast %get3A_140 : vector<1x1x512xf32> to vector<512xf32>
      %dot_general3A_142 = arith.constant dense<0.000000e+00> : vector<128x512xf32>
      %dot_general3A_143 = tpu.matmul %get3A_25, %get3A_136, %dot_general3A_142 {dimension_numbers = #tpu.dot_dimension_numbers<[1], [0], [0], [1], [0, 0, 1, 1], [], []>, transpose_lhs_hint = false} : vector<128x768xf32>, vector<768x512xf32>, vector<128x512xf32> -> vector<128x512xf32>
      %broadcast_in_dim3A_144 = vector.shape_cast %get3A_141 : vector<512xf32> to vector<1x512xf32>
      %add3A_145 = vector.broadcast %broadcast_in_dim3A_144 : vector<1x512xf32> to vector<128x512xf32>
      %add3A_146 = arith.addf %dot_general3A_143, %add3A_145 : vector<128x512xf32>
      %max3A_147 = arith.constant 0.000000e+00 : f32
      %max3A_148 = vector.broadcast %max3A_147 : f32 to vector<128x512xf32>
      %max3A_149 = arith.maximumf %add3A_146, %max3A_148 : vector<128x512xf32>
      %get3A_150 = arith.constant 0 : index
      %get3A_151 = arith.constant 2048 : index
      %get3A_152 = arith.constant 0 : index
      %get3A_153 = vector.load %arg6[%get3A_150, %get3A_151, %get3A_152] : memref<1x3072x768xf32, #tpu.memory_space<vmem>>, vector<1x512x768xf32>
      %get3A_154 = vector.shape_cast %get3A_153 : vector<1x512x768xf32> to vector<512x768xf32>
      %dot_general3A_155 = arith.constant dense<0.000000e+00> : vector<128x768xf32>
      %dot_general3A_156 = tpu.matmul %max3A_149, %get3A_154, %dot_general3A_155 {dimension_numbers = #tpu.dot_dimension_numbers<[1], [0], [0], [1], [0, 0, 1, 1], [], []>, transpose_lhs_hint = false} : vector<128x512xf32>, vector<512x768xf32>, vector<128x768xf32> -> vector<128x768xf32>
      %add3A_157 = arith.addf %add3A_131, %dot_general3A_156 : vector<128x768xf32>
      %get3A_158 = arith.constant 0 : index
      %get3A_159 = arith.constant 0 : index
      %get3A_160 = arith.constant 2560 : index
      %get3A_161 = vector.load %arg4[%get3A_158, %get3A_159, %get3A_160] : memref<1x768x3072xf32, #tpu.memory_space<vmem>>, vector<1x768x512xf32>
      %get3A_162 = vector.shape_cast %get3A_161 : vector<1x768x512xf32> to vector<768x512xf32>
      %get3A_163 = arith.constant 0 : index
      %get3A_164 = arith.constant 0 : index
      %get3A_165 = arith.constant 2560 : index
      %get3A_166 = vector.load %arg5[%get3A_163, %get3A_164, %get3A_165] : memref<1x1x3072xf32, #tpu.memory_space<vmem>>, vector<1x1x512xf32>
      %get3A_167 = vector.shape_cast %get3A_166 : vector<1x1x512xf32> to vector<512xf32>
      %dot_general3A_168 = arith.constant dense<0.000000e+00> : vector<128x512xf32>
      %dot_general3A_169 = tpu.matmul %get3A_25, %get3A_162, %dot_general3A_168 {dimension_numbers = #tpu.dot_dimension_numbers<[1], [0], [0], [1], [0, 0, 1, 1], [], []>, transpose_lhs_hint = false} : vector<128x768xf32>, vector<768x512xf32>, vector<128x512xf32> -> vector<128x512xf32>
      %broadcast_in_dim3A_170 = vector.shape_cast %get3A_167 : vector<512xf32> to vector<1x512xf32>
      %add3A_171 = vector.broadcast %broadcast_in_dim3A_170 : vector<1x512xf32> to vector<128x512xf32>
      %add3A_172 = arith.addf %dot_general3A_169, %add3A_171 : vector<128x512xf32>
      %max3A_173 = arith.constant 0.000000e+00 : f32
      %max3A_174 = vector.broadcast %max3A_173 : f32 to vector<128x512xf32>
      %max3A_175 = arith.maximumf %add3A_172, %max3A_174 : vector<128x512xf32>
      %get3A_176 = arith.constant 0 : index
      %get3A_177 = arith.constant 2560 : index
      %get3A_178 = arith.constant 0 : index
      %get3A_179 = vector.load %arg6[%get3A_176, %get3A_177, %get3A_178] : memref<1x3072x768xf32, #tpu.memory_space<vmem>>, vector<1x512x768xf32>
      %get3A_180 = vector.shape_cast %get3A_179 : vector<1x512x768xf32> to vector<512x768xf32>
      %dot_general3A_181 = arith.constant dense<0.000000e+00> : vector<128x768xf32>
      %dot_general3A_182 = tpu.matmul %max3A_175, %get3A_180, %dot_general3A_181 {dimension_numbers = #tpu.dot_dimension_numbers<[1], [0], [0], [1], [0, 0, 1, 1], [], []>, transpose_lhs_hint = false} : vector<128x512xf32>, vector<512x768xf32>, vector<128x768xf32> -> vector<128x768xf32>
      %add3A_183 = arith.addf %add3A_157, %dot_general3A_182 : vector<128x768xf32>
      %gt3A_184 = arith.constant 0 : i32
      %gt3A_185 = arith.cmpi sgt, %while3A_20, %gt3A_184 : i32
      %convert_element_type3A_186 = arith.extui %gt3A_185 : i1 to i32
      %cond3A_187 = arith.constant 0 : i32
      %cond3A_188 = arith.cmpi ne, %convert_element_type3A_186, %cond3A_187 : i32
      scf.if %cond3A_188 {
        %dma_wait3A = arith.constant 0 : i32
        %dma_wait3A_202 = tpu.memref_slice %arg8[%multiple_of3A, %dma_wait3A] : memref<4736x768xf32, #tpu.memory_space<any>> -> memref<128x768xf32, #tpu.memory_space<any>>
        tpu.wait_dma2 semaphore(%arg10 : memref<!tpu.dma_semaphore, #tpu.memory_space<semaphore_mem>>) src(%arg9 : memref<128x768xf32, #tpu.memory_space<vmem>>) dst(%dma_wait3A_202 : memref<128x768xf32, #tpu.memory_space<any>>)
      } else {
      }
      %get3A_189 = arith.constant 0 : index
      %get3A_190 = arith.constant 0 : index
      %get3A_191 = arith.constant 0 : index
      %get3A_192 = vector.load %arg7[%get3A_189, %get3A_190, %get3A_191] : memref<1x1x768xf32, #tpu.memory_space<vmem>>, vector<1x1x768xf32>
      %get3A_193 = vector.shape_cast %get3A_192 : vector<1x1x768xf32> to vector<768xf32>
      %broadcast_in_dim3A_194 = vector.shape_cast %get3A_193 : vector<768xf32> to vector<1x768xf32>
      %add3A_195 = vector.broadcast %broadcast_in_dim3A_194 : vector<1x768xf32> to vector<128x768xf32>
      %add3A_196 = arith.addf %add3A_183, %add3A_195 : vector<128x768xf32>
      %mul3A_197 = vector.broadcast %get3A_28 : vector<128x1xf32> to vector<128x768xf32>
      %mul3A_198 = arith.mulf %add3A_196, %mul3A_197 : vector<128x768xf32>
      %swap3A = arith.constant 0 : index
      %swap3A_199 = arith.constant 0 : index
      %swap3A_200 = vector.load %arg9[%swap3A, %swap3A_199] : memref<128x768xf32, #tpu.memory_space<vmem>>, vector<128x768xf32>
      tpu.vector_store %arg9[%swap3A, %swap3A_199], %mul3A_198 {strides = array<i32>} : memref<128x768xf32, #tpu.memory_space<vmem>>, vector<128x768xf32>,
      %dma_start3A = arith.constant 0 : i32
      %dma_start3A_201 = tpu.memref_slice %arg8[%multiple_of3A, %dma_start3A] : memref<4736x768xf32, #tpu.memory_space<any>> -> memref<128x768xf32, #tpu.memory_space<any>>
      tpu.enqueue_dma source(%arg9 : memref<128x768xf32, #tpu.memory_space<vmem>>) target(%dma_start3A_201 : memref<128x768xf32, #tpu.memory_space<any>>) target_semaphore(%arg10 : memref<!tpu.dma_semaphore, #tpu.memory_space<semaphore_mem>>)
    }
    %gt3A = arith.constant 0 : i32
    %gt3A_18 = arith.cmpi sgt, %div3A_8, %gt3A : i32
    %convert_element_type3A = arith.extui %gt3A_18 : i1 to i32
    %cond3A = arith.constant 0 : i32
    %cond3A_19 = arith.cmpi ne, %convert_element_type3A, %cond3A : i32
    scf.if %cond3A_19 {
      %multiple_of3A = tpu.assume_multiple %get3A_1, 8 : i32
      %dma_wait3A = arith.constant 0 : i32
      %dma_wait3A_20 = tpu.memref_slice %arg8[%multiple_of3A, %dma_wait3A] : memref<4736x768xf32, #tpu.memory_space<any>> -> memref<128x768xf32, #tpu.memory_space<any>>
      tpu.wait_dma2 semaphore(%arg10 : memref<!tpu.dma_semaphore, #tpu.memory_space<semaphore_mem>>) src(%arg9 : memref<128x768xf32, #tpu.memory_space<vmem>>) dst(%dma_wait3A_20 : memref<128x768xf32, #tpu.memory_space<any>>)
    } else {
    }
    return
  }
  func.func @transform_0(%arg0: i32) -> (i32, i32) {
    %c0_i32 = arith.constant 0 : i32
    %c0_i32_0 = arith.constant 0 : i32
    %c0_i32_1 = arith.constant 0 : i32
    return %c0_i32, %c0_i32_0 : i32, i32
  }
  func.func @transform_1(%arg0: i32) -> (i32, i32) {
    %c0_i32 = arith.constant 0 : i32
    %c0_i32_0 = arith.constant 0 : i32
    %c0_i32_1 = arith.constant 0 : i32
    return %c0_i32, %c0_i32_0 : i32, i32
  }
  func.func @transform_2(%arg0: i32) -> (i32, i32) {
    %c0_i32 = arith.constant 0 : i32
    %c0_i32_0 = arith.constant 0 : i32
    %c0_i32_1 = arith.constant 0 : i32
    return %c0_i32, %c0_i32_0 : i32, i32
  }
  func.func @transform_3(%arg0: i32) -> (i32, i32, i32) {
    %c0_i32 = arith.constant 0 : i32
    %c0_i32_0 = arith.constant 0 : i32
    %c0_i32_1 = arith.constant 0 : i32
    return %arg0, %c0_i32, %c0_i32_0 : i32, i32, i32
  }
  func.func @transform_4(%arg0: i32) -> (i32, i32, i32) {
    %c0_i32 = arith.constant 0 : i32
    %c0_i32_0 = arith.constant 0 : i32
    %c0_i32_1 = arith.constant 0 : i32
    return %arg0, %c0_i32, %c0_i32_0 : i32, i32, i32
  }
  func.func @transform_5(%arg0: i32) -> (i32, i32, i32) {
    %c0_i32 = arith.constant 0 : i32
    %c0_i32_0 = arith.constant 0 : i32
    %c0_i32_1 = arith.constant 0 : i32
    return %arg0, %c0_i32, %c0_i32_0 : i32, i32, i32
  }
  func.func @transform_6(%arg0: i32) -> (i32, i32, i32) {
    %c0_i32 = arith.constant 0 : i32
    %c0_i32_0 = arith.constant 0 : i32
    %c0_i32_1 = arith.constant 0 : i32
    return %arg0, %c0_i32, %c0_i32_0 : i32, i32, i32
  }
}

module attributes {stable_mosaic.version = 14 : i64} {
  func.func @_router_body(%arg0: i32, %arg1: memref<512x768xf32, #tpu.memory_space<vmem>>, %arg2: memref<64x768xf32, #tpu.memory_space<vmem>>, %arg3: memref<1x1x512xi32, #tpu.memory_space<vmem>>, %arg4: memref<1x1x512xf32, #tpu.memory_space<vmem>>, %arg5: memref<1x1x512xi32, #tpu.memory_space<vmem>>, %arg6: memref<1x80xi32, #tpu.memory_space<vmem>>, %arg7: memref<1x1xf32, #tpu.memory_space<smem>>, %arg8: memref<1x1xf32, #tpu.memory_space<smem>>, %arg9: memref<1x64xf32, #tpu.memory_space<vmem>>, %arg10: memref<1x64xf32, #tpu.memory_space<vmem>>) attributes {dimension_semantics = [#tpu.dimension_semantics<arbitrary>], iteration_bounds = array<i64: 8>, scalar_prefetch = 0 : i64, scratch_operands = 2 : i64, tpu.core_type = #tpu.core_type<tc>, window_params = [{transform_indices = @transform_0, window_bounds = array<i64: 512, 768>}, {pipeline_mode = #tpu.pipeline_mode<synchronous>, transform_indices = @transform_1, window_bounds = array<i64: 64, 768>}, {transform_indices = @transform_2, window_bounds = array<i64: 1, 1, 512>}, {transform_indices = @transform_3, window_bounds = array<i64: 1, 1, 512>}, {transform_indices = @transform_4, window_bounds = array<i64: 1, 1, 512>}, {pipeline_mode = #tpu.pipeline_mode<synchronous>, transform_indices = @transform_5, window_bounds = array<i64: 1, 80>}, {transform_indices = @transform_6, window_bounds = array<i64: 1, 1>}, {transform_indices = @transform_7, window_bounds = array<i64: 1, 1>}]} {
    %eq3A = arith.constant 0 : i32
    %eq3A_0 = arith.cmpi eq, %arg0, %eq3A : i32
    %convert_element_type3A = arith.extui %eq3A_0 : i1 to i32
    %cond3A = arith.constant 0 : i32
    %cond3A_1 = arith.cmpi ne, %convert_element_type3A, %cond3A : i32
    scf.if %cond3A_1 {
      %broadcast_in_dim3A_76 = arith.constant 0.000000e+00 : f32
      %broadcast_in_dim3A_77 = vector.broadcast %broadcast_in_dim3A_76 : f32 to vector<1x64xf32>
      %swap3A_78 = arith.constant 0 : index
      %swap3A_79 = arith.constant 0 : index
      %swap3A_80 = vector.load %arg9[%swap3A_78, %swap3A_79] : memref<1x64xf32, #tpu.memory_space<vmem>>, vector<1x64xf32>
      tpu.vector_store %arg9[%swap3A_78, %swap3A_79], %broadcast_in_dim3A_77 {strides = array<i32>} : memref<1x64xf32, #tpu.memory_space<vmem>>, vector<1x64xf32>,
      %broadcast_in_dim3A_81 = arith.constant 0.000000e+00 : f32
      %broadcast_in_dim3A_82 = vector.broadcast %broadcast_in_dim3A_81 : f32 to vector<1x64xf32>
      %swap3A_83 = arith.constant 0 : index
      %swap3A_84 = arith.constant 0 : index
      %swap3A_85 = vector.load %arg10[%swap3A_83, %swap3A_84] : memref<1x64xf32, #tpu.memory_space<vmem>>, vector<1x64xf32>
      tpu.vector_store %arg10[%swap3A_83, %swap3A_84], %broadcast_in_dim3A_82 {strides = array<i32>} : memref<1x64xf32, #tpu.memory_space<vmem>>, vector<1x64xf32>,
    } else {
    }
    %get3A = arith.constant 0 : index
    %get3A_2 = arith.constant 0 : index
    %get3A_3 = vector.load %arg1[%get3A, %get3A_2] : memref<512x768xf32, #tpu.memory_space<vmem>>, vector<512x768xf32>
    %get3A_4 = arith.constant 0 : index
    %get3A_5 = arith.constant 0 : index
    %get3A_6 = vector.load %arg2[%get3A_4, %get3A_5] : memref<64x768xf32, #tpu.memory_space<vmem>>, vector<64x768xf32>
    %dot_general3A = arith.constant dense<0.000000e+00> : vector<512x64xf32>
    %dot_general3A_7 = tpu.matmul %get3A_3, %get3A_6, %dot_general3A {dimension_numbers = #tpu.dot_dimension_numbers<[1], [1], [0], [0], [0, 0, 1, 0], [], []>, transpose_lhs_hint = false} : vector<512x768xf32>, vector<64x768xf32>, vector<512x64xf32> -> vector<512x64xf32>
    %reduce_max3A = arith.constant dense<0xFF800000> : vector<512xf32>
    %reduce_max3A_8 = vector.multi_reduction <maximumf>, %dot_general3A_7, %reduce_max3A [1] : vector<512x64xf32> to vector<512xf32>
    %broadcast_in_dim3A = vector.shape_cast %reduce_max3A_8 : vector<512xf32> to vector<512x1xf32>
    %sub3A = vector.broadcast %broadcast_in_dim3A : vector<512x1xf32> to vector<512x64xf32>
    %sub3A_9 = arith.subf %dot_general3A_7, %sub3A : vector<512x64xf32>
    %exp3A = math.exp %sub3A_9 : vector<512x64xf32>
    %reduce_sum3A = arith.constant dense<0.000000e+00> : vector<512xf32>
    %reduce_sum3A_10 = vector.multi_reduction <add>, %exp3A, %reduce_sum3A [1] : vector<512x64xf32> to vector<512xf32>
    %broadcast_in_dim3A_11 = vector.shape_cast %reduce_sum3A_10 : vector<512xf32> to vector<512x1xf32>
    %div3A = vector.broadcast %broadcast_in_dim3A_11 : vector<512x1xf32> to vector<512x64xf32>
    %div3A_12 = arith.divf %exp3A, %div3A : vector<512x64xf32>
    %reduce_max3A_13 = arith.constant dense<0xFF800000> : vector<512xf32>
    %reduce_max3A_14 = vector.multi_reduction <maximumf>, %div3A_12, %reduce_max3A_13 [1] : vector<512x64xf32> to vector<512xf32>
    %broadcast_in_dim3A_15 = vector.shape_cast %reduce_max3A_14 : vector<512xf32> to vector<512x1xf32>
    %squeeze3A = vector.shape_cast %broadcast_in_dim3A_15 : vector<512x1xf32> to vector<512xf32>
    %iota3A = tpu.iota {dimensions = array<i32: 1>} : vector<512x64xi32>
    %eq3A_16 = vector.broadcast %broadcast_in_dim3A_15 : vector<512x1xf32> to vector<512x64xf32>
    %eq3A_17 = arith.cmpf oeq, %div3A_12, %eq3A_16 : vector<512x64xf32>
    %jit3A = arith.constant 64 : i32
    %broadcast_in_dim3A_18 = vector.broadcast %jit3A : i32 to vector<512x64xi32>
    %select_n3A = arith.select %eq3A_17, %iota3A, %broadcast_in_dim3A_18 : vector<512x64xi1>, vector<512x64xi32>
    %reduce_min3A = arith.constant dense<2147483647> : vector<512xi32>
    %reduce_min3A_19 = vector.multi_reduction <minsi>, %select_n3A, %reduce_min3A [1] : vector<512x64xi32> to vector<512xi32>
    %broadcast_in_dim3A_20 = vector.shape_cast %reduce_min3A_19 : vector<512xi32> to vector<512x1xi32>
    %eq3A_21 = vector.broadcast %broadcast_in_dim3A_20 : vector<512x1xi32> to vector<512x64xi32>
    %eq3A_22 = arith.cmpi eq, %iota3A, %eq3A_21 : vector<512x64xi32>
    %convert_element_type3A_23 = arith.extui %eq3A_22 : vector<512x64xi1> to vector<512x64xi32>
    %convert_element_type3A_24 = arith.sitofp %convert_element_type3A_23 : vector<512x64xi32> to vector<512x64xf32>
    %iota3A_25 = tpu.iota {dimensions = array<i32: 0>} : vector<512x512xi32>
    %iota3A_26 = tpu.iota {dimensions = array<i32: 1>} : vector<512x512xi32>
    %gt3A = arith.cmpi sgt, %iota3A_25, %iota3A_26 : vector<512x512xi32>
    %convert_element_type3A_27 = arith.extui %gt3A : vector<512x512xi1> to vector<512x512xi32>
    %convert_element_type3A_28 = arith.sitofp %convert_element_type3A_27 : vector<512x512xi32> to vector<512x512xf32>
    %dot_general3A_29 = arith.constant dense<0.000000e+00> : vector<512x64xf32>
    %dot_general3A_30 = tpu.matmul %convert_element_type3A_28, %convert_element_type3A_24, %dot_general3A_29 {dimension_numbers = #tpu.dot_dimension_numbers<[1], [0], [0], [1], [0, 0, 1, 1], [], []>, transpose_lhs_hint = false} : vector<512x512xf32>, vector<512x64xf32>, vector<512x64xf32> -> vector<512x64xf32>
    %get3A_31 = arith.constant 0 : index
    %get3A_32 = arith.constant 0 : index
    %get3A_33 = vector.load %arg9[%get3A_31, %get3A_32] : memref<1x64xf32, #tpu.memory_space<vmem>>, vector<1x64xf32>
    %add3A = vector.broadcast %get3A_33 : vector<1x64xf32> to vector<512x64xf32>
    %add3A_34 = arith.addf %dot_general3A_30, %add3A : vector<512x64xf32>
    %mul3A = arith.mulf %convert_element_type3A_24, %add3A_34 : vector<512x64xf32>
    %reduce_sum3A_35 = arith.constant dense<0.000000e+00> : vector<512xf32>
    %reduce_sum3A_36 = vector.multi_reduction <add>, %mul3A, %reduce_sum3A_35 [1] : vector<512x64xf32> to vector<512xf32>
    %reduce_sum3A_37 = arith.constant dense<0.000000e+00> : vector<64xf32>
    %reduce_sum3A_38 = vector.multi_reduction <add>, %convert_element_type3A_24, %reduce_sum3A_37 [0] : vector<512x64xf32> to vector<64xf32>
    %broadcast_in_dim3A_39 = vector.shape_cast %reduce_sum3A_38 : vector<64xf32> to vector<1x64xf32>
    %add3A_40 = arith.addf %get3A_33, %broadcast_in_dim3A_39 : vector<1x64xf32>
    %swap3A = arith.constant 0 : index
    %swap3A_41 = arith.constant 0 : index
    %swap3A_42 = vector.load %arg9[%swap3A, %swap3A_41] : memref<1x64xf32, #tpu.memory_space<vmem>>, vector<1x64xf32>
    tpu.vector_store %arg9[%swap3A, %swap3A_41], %add3A_40 {strides = array<i32>} : memref<1x64xf32, #tpu.memory_space<vmem>>, vector<1x64xf32>,
    %get3A_43 = arith.constant 0 : index
    %get3A_44 = arith.constant 0 : index
    %get3A_45 = vector.load %arg10[%get3A_43, %get3A_44] : memref<1x64xf32, #tpu.memory_space<vmem>>, vector<1x64xf32>
    %broadcast_in_dim3A_46 = vector.shape_cast %squeeze3A : vector<512xf32> to vector<512x1xf32>
    %mul3A_47 = vector.broadcast %broadcast_in_dim3A_46 : vector<512x1xf32> to vector<512x64xf32>
    %mul3A_48 = arith.mulf %convert_element_type3A_24, %mul3A_47 : vector<512x64xf32>
    %reduce_sum3A_49 = arith.constant dense<0.000000e+00> : vector<64xf32>
    %reduce_sum3A_50 = vector.multi_reduction <add>, %mul3A_48, %reduce_sum3A_49 [0] : vector<512x64xf32> to vector<64xf32>
    %broadcast_in_dim3A_51 = vector.shape_cast %reduce_sum3A_50 : vector<64xf32> to vector<1x64xf32>
    %add3A_52 = arith.addf %get3A_45, %broadcast_in_dim3A_51 : vector<1x64xf32>
    %swap3A_53 = arith.constant 0 : index
    %swap3A_54 = arith.constant 0 : index
    %swap3A_55 = vector.load %arg10[%swap3A_53, %swap3A_54] : memref<1x64xf32, #tpu.memory_space<vmem>>, vector<1x64xf32>
    tpu.vector_store %arg10[%swap3A_53, %swap3A_54], %add3A_52 {strides = array<i32>} : memref<1x64xf32, #tpu.memory_space<vmem>>, vector<1x64xf32>,
    %reshape3A = vector.shape_cast %reduce_min3A_19 : vector<512xi32> to vector<1x1x512xi32>
    %swap3A_56 = arith.constant 0 : index
    %swap3A_57 = arith.constant 0 : index
    %swap3A_58 = arith.constant 0 : index
    %swap3A_59 = vector.load %arg3[%swap3A_56, %swap3A_57, %swap3A_58] : memref<1x1x512xi32, #tpu.memory_space<vmem>>, vector<1x1x512xi32>
    tpu.vector_store %arg3[%swap3A_56, %swap3A_57, %swap3A_58], %reshape3A {strides = array<i32>} : memref<1x1x512xi32, #tpu.memory_space<vmem>>, vector<1x1x512xi32>,
    %reshape3A_60 = vector.shape_cast %squeeze3A : vector<512xf32> to vector<1x1x512xf32>
    %swap3A_61 = arith.constant 0 : index
    %swap3A_62 = arith.constant 0 : index
    %swap3A_63 = arith.constant 0 : index
    %swap3A_64 = vector.load %arg4[%swap3A_61, %swap3A_62, %swap3A_63] : memref<1x1x512xf32, #tpu.memory_space<vmem>>, vector<1x1x512xf32>
    tpu.vector_store %arg4[%swap3A_61, %swap3A_62, %swap3A_63], %reshape3A_60 {strides = array<i32>} : memref<1x1x512xf32, #tpu.memory_space<vmem>>, vector<1x1x512xf32>,
    %convert_element_type3A_65 = arith.fptosi %reduce_sum3A_36 : vector<512xf32> to vector<512xi32>
    %reshape3A_66 = vector.shape_cast %convert_element_type3A_65 : vector<512xi32> to vector<1x1x512xi32>
    %swap3A_67 = arith.constant 0 : index
    %swap3A_68 = arith.constant 0 : index
    %swap3A_69 = arith.constant 0 : index
    %swap3A_70 = vector.load %arg5[%swap3A_67, %swap3A_68, %swap3A_69] : memref<1x1x512xi32, #tpu.memory_space<vmem>>, vector<1x1x512xi32>
    tpu.vector_store %arg5[%swap3A_67, %swap3A_68, %swap3A_69], %reshape3A_66 {strides = array<i32>} : memref<1x1x512xi32, #tpu.memory_space<vmem>>, vector<1x1x512xi32>,
    %eq3A_71 = arith.constant 7 : i32
    %eq3A_72 = arith.cmpi eq, %arg0, %eq3A_71 : i32
    %convert_element_type3A_73 = arith.extui %eq3A_72 : i1 to i32
    %cond3A_74 = arith.constant 0 : i32
    %cond3A_75 = arith.cmpi ne, %convert_element_type3A_73, %cond3A_74 : i32
    scf.if %cond3A_75 {
      %get3A_76 = arith.constant 0 : index
      %get3A_77 = arith.constant 0 : index
      %get3A_78 = vector.load %arg9[%get3A_76, %get3A_77] : memref<1x64xf32, #tpu.memory_space<vmem>>, vector<1x64xf32>
      %get3A_79 = arith.constant 0 : index
      %get3A_80 = arith.constant 0 : index
      %get3A_81 = vector.load %arg10[%get3A_79, %get3A_80] : memref<1x64xf32, #tpu.memory_space<vmem>>, vector<1x64xf32>
      %mul3A_82 = arith.constant 1.562500e-02 : f32
      %mul3A_83 = vector.broadcast %mul3A_82 : f32 to vector<1x64xf32>
      %mul3A_84 = arith.mulf %get3A_78, %mul3A_83 : vector<1x64xf32>
      %div3A_85 = arith.constant 4.096000e+03 : f32
      %div3A_86 = vector.broadcast %div3A_85 : f32 to vector<1x64xf32>
      %div3A_87 = arith.divf %get3A_81, %div3A_86 : vector<1x64xf32>
      %mul3A_88 = arith.mulf %mul3A_84, %div3A_87 : vector<1x64xf32>
      %reduce_sum3A_89 = vector.shape_cast %mul3A_88 : vector<1x64xf32> to vector<1x1x64xf32>
      %reduce_sum3A_90 = arith.constant dense<0.000000e+00> : vector<1xf32>
      %reduce_sum3A_91 = vector.multi_reduction <add>, %reduce_sum3A_89, %reduce_sum3A_90 [1, 2] : vector<1x1x64xf32> to vector<1xf32>
      %reduce_sum3A_92 = vector.shape_cast %reduce_sum3A_91 : vector<1xf32> to vector<1x1x1xf32>
      %reduce_sum3A_93 = vector.extract %reduce_sum3A_92[0, 0, 0] : f32 from vector<1x1x1xf32>
      %mul3A_94 = arith.constant 0.00999999977 : f32
      %mul3A_95 = arith.mulf %mul3A_94, %reduce_sum3A_93 : f32
      %swap3A_96 = arith.constant 0 : index
      %swap3A_97 = arith.constant 0 : index
      %swap3A_98 = memref.load %arg7[%swap3A_96, %swap3A_97] : memref<1x1xf32, #tpu.memory_space<smem>>
      memref.store %mul3A_95, %arg7[%swap3A_96, %swap3A_97] : memref<1x1xf32, #tpu.memory_space<smem>>
      %reduce_max3A_99 = vector.shape_cast %get3A_78 : vector<1x64xf32> to vector<1x1x64xf32>
      %reduce_max3A_100 = arith.constant dense<0xFF800000> : vector<1xf32>
      %reduce_max3A_101 = vector.multi_reduction <maximumf>, %reduce_max3A_99, %reduce_max3A_100 [1, 2] : vector<1x1x64xf32> to vector<1xf32>
      %reduce_max3A_102 = vector.shape_cast %reduce_max3A_101 : vector<1xf32> to vector<1x1x1xf32>
      %reduce_max3A_103 = vector.extract %reduce_max3A_102[0, 0, 0] : f32 from vector<1x1x1xf32>
      %sub3A_104 = arith.constant 6.400000e+01 : f32
      %sub3A_105 = arith.subf %reduce_max3A_103, %sub3A_104 : f32
      %div3A_106 = arith.constant 6.400000e+01 : f32
      %div3A_107 = arith.divf %sub3A_105, %div3A_106 : f32
      %swap3A_108 = arith.constant 0 : index
      %swap3A_109 = arith.constant 0 : index
      %swap3A_110 = memref.load %arg8[%swap3A_108, %swap3A_109] : memref<1x1xf32, #tpu.memory_space<smem>>
      memref.store %div3A_107, %arg8[%swap3A_108, %swap3A_109] : memref<1x1xf32, #tpu.memory_space<smem>>
      %mul3A_111 = arith.constant 1.250000e-01 : f32
      %mul3A_112 = vector.broadcast %mul3A_111 : f32 to vector<1x64xf32>
      %mul3A_113 = arith.mulf %get3A_78, %mul3A_112 : vector<1x64xf32>
      %ceil3A = math.ceil %mul3A_113 : vector<1x64xf32>
      %mul3A_114 = arith.constant 8.000000e+00 : f32
      %mul3A_115 = vector.broadcast %mul3A_114 : f32 to vector<1x64xf32>
      %mul3A_116 = arith.mulf %ceil3A, %mul3A_115 : vector<1x64xf32>
      %iota3A_117 = tpu.iota {dimensions = array<i32: 0>} : vector<64x80xi32>
      %iota3A_118 = tpu.iota {dimensions = array<i32: 1>} : vector<64x80xi32>
      %lt3A = arith.cmpi slt, %iota3A_117, %iota3A_118 : vector<64x80xi32>
      %convert_element_type3A_119 = arith.extui %lt3A : vector<64x80xi1> to vector<64x80xi32>
      %convert_element_type3A_120 = arith.sitofp %convert_element_type3A_119 : vector<64x80xi32> to vector<64x80xf32>
      %dot_general3A_121 = arith.constant dense<0.000000e+00> : vector<1x80xf32>
      %dot_general3A_122 = tpu.matmul %mul3A_116, %convert_element_type3A_120, %dot_general3A_121 {dimension_numbers = #tpu.dot_dimension_numbers<[1], [0], [0], [1], [0, 0, 1, 1], [], []>, transpose_lhs_hint = false} : vector<1x64xf32>, vector<64x80xf32>, vector<1x80xf32> -> vector<1x80xf32>
      %convert_element_type3A_123 = arith.fptosi %dot_general3A_122 : vector<1x80xf32> to vector<1x80xi32>
      %swap3A_124 = arith.constant 0 : index
      %swap3A_125 = arith.constant 0 : index
      %swap3A_126 = vector.load %arg6[%swap3A_124, %swap3A_125] : memref<1x80xi32, #tpu.memory_space<vmem>>, vector<1x80xi32>
      tpu.vector_store %arg6[%swap3A_124, %swap3A_125], %convert_element_type3A_123 {strides = array<i32>} : memref<1x80xi32, #tpu.memory_space<vmem>>, vector<1x80xi32>,
    } else {
    }
    return
  }
  func.func @transform_0(%arg0: i32) -> (i32, i32) {
    %c0_i32 = arith.constant 0 : i32
    %c0_i32_0 = arith.constant 0 : i32
    return %arg0, %c0_i32 : i32, i32
  }
  func.func @transform_1(%arg0: i32) -> (i32, i32) {
    %c0_i32 = arith.constant 0 : i32
    %c0_i32_0 = arith.constant 0 : i32
    %c0_i32_1 = arith.constant 0 : i32
    return %c0_i32, %c0_i32_0 : i32, i32
  }
  func.func @transform_2(%arg0: i32) -> (i32, i32, i32) {
    %c0_i32 = arith.constant 0 : i32
    %c0_i32_0 = arith.constant 0 : i32
    %c0_i32_1 = arith.constant 0 : i32
    return %arg0, %c0_i32, %c0_i32_0 : i32, i32, i32
  }
  func.func @transform_3(%arg0: i32) -> (i32, i32, i32) {
    %c0_i32 = arith.constant 0 : i32
    %c0_i32_0 = arith.constant 0 : i32
    %c0_i32_1 = arith.constant 0 : i32
    return %arg0, %c0_i32, %c0_i32_0 : i32, i32, i32
  }
  func.func @transform_4(%arg0: i32) -> (i32, i32, i32) {
    %c0_i32 = arith.constant 0 : i32
    %c0_i32_0 = arith.constant 0 : i32
    %c0_i32_1 = arith.constant 0 : i32
    return %arg0, %c0_i32, %c0_i32_0 : i32, i32, i32
  }
  func.func @transform_5(%arg0: i32) -> (i32, i32) {
    %c0_i32 = arith.constant 0 : i32
    %c0_i32_0 = arith.constant 0 : i32
    %c0_i32_1 = arith.constant 0 : i32
    return %c0_i32, %c0_i32_0 : i32, i32
  }
  func.func @transform_6(%arg0: i32) -> (i32, i32) {
    %c0_i32 = arith.constant 0 : i32
    %c0_i32_0 = arith.constant 0 : i32
    %c0_i32_1 = arith.constant 0 : i32
    return %c0_i32, %c0_i32_0 : i32, i32
  }
  func.func @transform_7(%arg0: i32) -> (i32, i32) {
    %c0_i32 = arith.constant 0 : i32
    %c0_i32_0 = arith.constant 0 : i32
    %c0_i32_1 = arith.constant 0 : i32
    return %c0_i32, %c0_i32_0 : i32, i32
  }
}

</mosaic_0001>

<sc_bundles>
// kernel: kernel.6.cloned.1.call-start
scs
__scs_entry_jumppad:
0x0: {  	(pc) =	sbr.rel $0x88, $3  }
0x1: {  	(tag) =	ssettag $0x0;
	lr =	simm.s32 $0x1  }
0x2: {  	[smem:$0x3F9B] =	sst lr;
	_ =	strace $0xD0000000  }
0x3: {  	_ = 	snop  }
0x4: {  	_ = 	snop  }
0x5: {  	_ = 	snop  }
0x6: {  	_ = 	snop  }
0x7: {  	_ = 	snop  }
__scs_overlays_trampoline_lowered:
0x8: {  	[smem:$0x3FAA] =	sst s0  }
0x9: {  	[smem:$0x3FAB] =	sst s1  }
0xa: {  	[smem:$0x3FAC] =	sst s2  }
0xb: {  	[smem:$0x3FAD] =	sst s3  }
0xc: {  	[smem:$0x3FAE] =	sst s4  }
0xd: {  	[smem:$0x3FAF] =	sst s5  }
0xe: {  	[smem:$0x3FB0] =	sst s6  }
0xf: {  	[smem:$0x3FB1] =	sst s7  }
0x10: {  	[smem:$0x3FB2] =	sst s8  }
0x11: {  	[smem:$0x3FB3] =	sst s9;
	s0 =	simm.s32 @!p0 $0x0  }
0x12: {  	s1 =	sld [smem:$0x3F99];
	s0 =	simm.s32 @p0 $0x1  }
0x13: {  	[smem:$0x3FB4] =	sst s0;
	s0 =	simm.s32 @!p1 $0x0  }
0x14: {  	s2 =	sld [smem:$0x3F98];
	s0 =	simm.s32 @p1 $0x1  }
0x15: {  	[smem:$0x3FB5] =	sst s0;
	s0 =	simm.s32 @!p2 $0x0  }
0x16: {  	s3 =	sld [smem:$0x3FDB];
	s0 =	simm.s32 @p2 $0x1  }
0x17: {  	s4 =	simm.s32 $0x1BF5;
	[smem:$0x3FB7] =	sst s0  }
0x18: {  	s0 =	sld [smem:$0x3F9A];
	_ =	swait.ge [sflag:s4], $0x0  }
0x19: {  	s7 =	sld [smem:$0x3F9B]  }
0x1a: {  	s8 =	sadd.s32 $0xFFFFE003, lr  }
0x1b: {  	s9 =	sadd.s32 $0xFFFFFEF7, lr;
	s5 =	simm.s32 $0xFFFFFFFF;
	p2 =	slt.u32 s8, $0xFFFFF086  }
0x1c: {  	p1 =	slt.u32 s9, $0xF7A;
	s5 =	simm.s32 @!p2 $0x0  }
0x1d: {  	s5 =	simm.s32 @p1 $0x1;
	p0 =	seq.s32 s7, s2  }
0x1e: {  	s7 =	smul.u32 @!p0 $0xF7A, s2;
	p2 =	seq.s32 @!p0 s5, $0x0  }
0x1f: {  	s9 =	smul.u32 $0xF7A, s1;
	s8 =	simm.s32 @!p0 $0x1BF5;
	p2 =	por !p2, p0  }
0x20: {  	[sflag:s8] =	ssyncset.s32 @!p0 $0xFFFFF086;
	s6 =	sadd.s32 @!p0 s3, s7;
	s7 =	simm.s32 @!p0 $0x108  }
0x21: {  	s3 =	sadd.s32 s3, s9;
	s6 =	sadd.s32 @!p0 $0x88, s6;
	s7 =	simm.s32 @p2 $0x1082  }
0x22: {  	[simem:s7], [sflag:s8] =	dma.local @!p0 [hbm:s6], $0xF7A  }
0x23: {  	s9 =	sor.u32 $0xD0000000, s2;
	s6 =	simm.s32 $0x108;
	_ =	swait.ge @!p0 [sflag:s8], $0x0  }
0x24: {  	s3 =	sadd.s32 $0x88, s3;
	s6 =	simm.s32 @!p1 $0x1082;
	[sflag:s4] =	ssyncset.s32 $0xFFFFF086  }
0x25: {  	[simem:s6], [sflag:s4] =	dma.local [hbm:s3], $0xF7A  }
0x26: {  	[smem:$0x3F9B] =	sst s1;
	(tag) =	ssettag s2;
	_ =	strace s9  }
0x27: {  	s1 =	sld [smem:$0x3FAB]  }
0x28: {  	s2 =	sld [smem:$0x3FAC]  }
0x29: {  	s4 =	sld [smem:$0x3FAE]  }
0x2a: {  	p0 =	seq.s32 s5, $0x0;
	s5 =	sld [smem:$0x3FAF]  }
0x2b: {  	s6 =	sld [smem:$0x3FB0]  }
0x2c: {  	s7 =	sld [smem:$0x3FB1]  }
0x2d: {  	s3 =	simm.s32 $0x108;
	s8 =	sld [smem:$0x3FB2]  }
0x2e: {  	s3 =	simm.s32 @!p0 $0x1082;
	s9 =	sld [smem:$0x3FB3]  }
0x2f: {  	lr =	sadd.s32 s0, s3;
	s0 =	sld [smem:$0x3FAA]  }
0x30: {  	s3 =	sld [smem:$0x3FAD]  }
0x31: {  	[smem:$0x3FB6] =	sst s10  }
0x32: {  	s10 =	sld [smem:$0x3FB4];
	_ =	sdelay $0x3  }
0x33: {  	p0 =	seq.s32 s10, $0x1;
	s10 =	sld [smem:$0x3FB6];
	_ =	sdelay $0x3  }
0x34: {  	[smem:$0x3FB6] =	sst s10  }
0x35: {  	s10 =	sld [smem:$0x3FB5];
	_ =	sdelay $0x3  }
0x36: {  	p1 =	seq.s32 s10, $0x1;
	s10 =	sld [smem:$0x3FB6];
	_ =	sdelay $0x3  }
0x37: {  	[smem:$0x3FB6] =	sst s10  }
0x38: {  	s10 =	sld [smem:$0x3FB7]  }
0x39: {  	_ = 	snop;
	(pc) =	sbr.ind lr, $3  }
0x3a: {  	_ = 	snop  }
0x3b: {  	_ = 	snop  }
0x3c: {  	p2 =	seq.s32 s10, $0x1;
	s10 =	sld [smem:$0x3FB6]  }
0x3d: {  	_ =	shalt  }
0x3e: {  	_ =	shalt  }
0x3f: {  	_ =	shalt  }
0x40: {  	_ =	shalt  }
0x41: {  	_ =	shalt  }
0x42: {  	_ =	shalt  }
0x43: {  	_ =	shalt  }
0x44: {  	_ =	shalt  }
0x45: {  	_ =	shalt  }
0x46: {  	_ =	shalt  }
0x47: {  	_ =	shalt  }
0x48: {  	_ =	shalt  }
0x49: {  	_ =	shalt  }
0x4a: {  	_ =	shalt  }
0x4b: {  	_ =	shalt  }
0x4c: {  	_ =	shalt  }
0x4d: {  	_ =	shalt  }
0x4e: {  	_ =	shalt  }
0x4f: {  	_ =	shalt  }
0x50: {  	_ =	shalt  }
0x51: {  	_ =	shalt  }
0x52: {  	_ =	shalt  }
0x53: {  	_ =	shalt  }
0x54: {  	_ =	shalt  }
0x55: {  	_ =	shalt  }
0x56: {  	_ =	shalt  }
0x57: {  	_ =	shalt  }
0x58: {  	_ =	shalt  }
0x59: {  	_ =	shalt  }
0x5a: {  	_ =	shalt  }
0x5b: {  	_ =	shalt  }
0x5c: {  	_ =	shalt  }
0x5d: {  	_ =	shalt  }
0x5e: {  	_ =	shalt  }
0x5f: {  	_ =	shalt  }
0x60: {  	_ =	shalt  }
0x61: {  	_ =	shalt  }
0x62: {  	_ =	shalt  }
0x63: {  	_ =	shalt  }
0x64: {  	_ =	shalt  }
0x65: {  	_ =	shalt  }
0x66: {  	_ =	shalt  }
0x67: {  	_ =	shalt  }
0x68: {  	_ =	shalt  }
0x69: {  	_ =	shalt  }
0x6a: {  	_ =	shalt  }
0x6b: {  	_ =	shalt  }
0x6c: {  	_ =	shalt  }
0x6d: {  	_ =	shalt  }
0x6e: {  	_ =	shalt  }
0x6f: {  	_ =	shalt  }
0x70: {  	_ =	shalt  }
0x71: {  	_ =	shalt  }
0x72: {  	_ =	shalt  }
0x73: {  	_ =	shalt  }
0x74: {  	_ =	shalt  }
0x75: {  	_ =	shalt  }
0x76: {  	_ =	shalt  }
0x77: {  	_ =	shalt  }
0x78: {  	_ =	shalt  }
0x79: {  	_ =	shalt  }
0x7a: {  	_ =	shalt  }
0x7b: {  	_ =	shalt  }
0x7c: {  	_ =	shalt  }
0x7d: {  	_ =	shalt  }
0x7e: {  	_ =	shalt  }
0x7f: {  	_ =	shalt  }
0x80: {  	_ =	shalt  }
0x81: {  	_ =	shalt  }
0x82: {  	_ =	shalt  }
0x83: {  	_ =	shalt  }
0x84: {  	_ =	shalt  }
0x85: {  	_ =	shalt  }
0x86: {  	_ =	shalt  }
0x87: {  	_ =	shalt  }
.Lfunc_end0:
.L_simem_size_0:
called_computation_lowered:
.L_overlay_start_0:
0x88: {  	s2 =	sld [smem:$0x3FD9]  }
0x89: {  	s3 =	sld [smem:$0x3FFE];
	_ =	sdelay $0x1  }
0x8a: {  	s1 =	srdreg.scid  }
0x8b: {  	s0 =	sand.u32 $0x1, s1  }
0x8c: {  	s14 =	sshll.u32 s0, $0xA;
	s2 =	sadd.s32 s3, s2  }
0x8d: {  	s2 =	sadd.s32 s2, s14  }
0x8e: {  	[smem:$0x3FC2] =	sst s2  }
0x8f: {  	_ = 	snop  }
0x90: {  	s2 =	sld [smem:$0x3FD0];
	_ =	sdelay $0x2  }
0x91: {  	s4 =	simm.s32 $0xA;
	s5 =	simm.s32 $0x10;
	s15 =	sld [smem:$0x3FC9]  }
0x92: {  	[smem:s5], [sflag:s4] =	dma.local [hbm:s2], $0x1  }
0x93: {  	_ =	swait.eq [sflag:s4], $0x1  }
0x94: {  	[sflag:s4] =	ssyncset.done $0x0  }
0x95: {  	[sflag:s4] =	ssyncadd.s32 $0xFFFFFFFF  }
0x96: {  	s16 =	sld [smem:$0x10];
	(tm) =	ssettm $0x1  }
0x97: {  	s17 =	sld [smem:$0x3FFB];
	_ =	sdelay $0x3  }
0x98: {  	_ =	strace s17  }
0x99: {  	s4 =	sld [smem:$0x3FFC];
	_ =	sdelay $0x3  }
0x9a: {  	_ =	strace s4  }
0x9b: {  	s4 =	sld [smem:$0x3FFD];
	_ =	sdelay $0x3  }
0x9c: {  	_ =	strace s4  }
0x9d: {  	_ =	strace $0x8FFFFFFF  }
0x9e: {  	s18 =	sld [smem:$0x3FDB];
	_ =	sdelay $0x1  }
0x9f: {  	s19 =	simm.s32 $_scs_section_size  }
0xa0: {  	s6 =	simm.s32 $_size__tile_overlayer_lowered;
	s7 =	simm.s32 $_tile_overlayer_lowered  }
0xa1: {  	s22 =	simm.s32 $0x1BFF;
	s21 =	sshll.u32 s7, $0x1;
	s4 =	sadd.s32 s19, s18  }
0xa2: {  	s8 =	simm.s32 $0x0;
	s20 =	sshll.u32 s6, $0x1;
	s6 =	sadd.s32 s21, s4  }
0xa3: {  	[timem:s8], [sflag:s22] =	dma.local [hbm:s6], s20  }
0xa4: {  	_ =	swait.ge [sflag:s22], s20  }
0xa5: {  	s5 =	ssub.s32 $0x0, s20;
	[sflag:s22] =	ssyncset.done $0x0  }
0xa6: {  	[sflag:s22] =	ssyncadd.s32 s5;
	_ =	sdelay $0x1  }
0xa7: {  	s23 =	simm.s32 $0x1B8B  }
0xa8: {  	_ =	swait.ge [sflag:s23], $0x1  }
0xa9: {  	[sflag:s23] =	ssyncset.done $0x0  }
0xaa: {  	s25 =	simm.s32 $0x1B8E;
	s24 =	sld [smem:$0x3FFE];
	[sflag:s23] =	ssyncadd.s32 $0xFFFFFFFF  }
0xab: {  	s26 =	simm.s32 $execute0_lowered;
	[smem:$0x3FD2] =	sst s25  }
0xac: {  	s6 =	sshll.u32 s26, $0x1;
	_ =	strace $0x80000046;
	[dreg:$0x1] =	wrdreg $0xFFFFFFFF  }
0xad: {  	s28 =	simm.s32 $_size_execute0_lowered;
	s4 =	sadd.s32 s4, s6;
	[dreg:$0x0] =	wrdreg $0x0  }
0xae: {  	s6 =	sshll.u32 s28, $0x1;
	[dreg:$0x2] =	wrdreg s4  }
0xaf: {  	[dreg:$0x3] =	wrdreg s6  }
0xb0: {  	[dreg:$0x4] =	wrdreg $0xC0  }
0xb1: {  	_ =	task [dreg:s8], $0x5FFFF  }
0xb2: {  	[dreg:$0x1] =	wrdreg $0xFFFFFFFF  }
0xb3: {  	[dreg:$0x0] =	wrdreg $0x60  }
0xb4: {  	[dreg:$0x2] =	wrdreg s15  }
0xb5: {  	[dreg:$0x3] =	wrdreg s24  }
0xb6: {  	[dreg:$0x4] =	wrdreg s16  }
0xb7: {  	[dreg:$0x5] =	wrdreg $0x9  }
0xb8: {  	_ =	task.clear_ibuf [dreg:s8], $0x6FFFF;
	_ =	strace $0x90000046  }
0xb9: {  	s29 =	simm.s32 $0x9;
	_ =	strace $0x80000048  }
0xba: {  	_ =	swait.ge [sflag:s29], $0x1  }
0xbb: {  	[sflag:s29] =	ssyncadd.s32 $0xFFFFFFFF  }
0xbc: {  	_ =	strace $0x90000048  }
0xbd: {  	_ =	sfence  }
0xbe: {  	s30 =	sld [smem:$0x0];
	_ =	sdelay $0x2  }
0xbf: {  	s31 =	sshll.u32 s1, $0xD;
	s1 =	sshrl.u32 s1, $0x2  }
0xc0: {  	s3 =	sand.u32 $0x4000, s31;
	s1 =	sadd.s32 s1, s30  }
0xc1: {  	s0 =	sor.u32 s3, s0;
	s1 =	sshll.u32 s1, $0x11  }
0xc2: {  	s0 =	sor.u32 s1, s0  }
0xc3: {  	s0 =	sadd.s32 $0x8F2B, s0  }
0xc4: {  	[sflag:s0] =	ssyncadd.remote.s32 $0x1  }
0xc5: {  	_ =	sfence.sel $0xFFFF  }
0xc6: {  	[dreg:$0x0] =	wrdreg $0xFFFFFFFF;
	(pc) =	sbr.abs _section_cstart, $3  }
0xc7: {  	[dreg:$0x1] =	wrdreg $0xFFFFFFFF  }
0xc8: {  	_ =	task.clear_ibuf [dreg:s8], $0x2FFFF;
	_ =	strace $0x9FFFFFFF  }
0xc9: {  	(tm) =	ssettm $0x7FFFFFFF  }
tec
execute0_lowered:
.L_overlay_start_1:
0x0: {  	(tag) =	ssettag $0x1  }
0x1: {  	s3 =	rddreg [dreg:$0x0]  }
0x2: {  	s0 =	rddreg [dreg:$0x1]  }
0x3: {  	s1 =	rddreg [dreg:$0x2];
	s2 =	srdreg.scid  }
0x4: {  	[dreg:$0x5] =	wrdreg s1;
	s4 =	sand.u32 $0x1, s2;
	s2 =	simm.s32 $0x0  }
0x5: {  	s14 =	sadd.s32 $0x2400, s0;
	[smem:$0x7FF] =	sst s2  }
0x6: {  	s19 =	simm.s32 $0x100;
	_ =	strace $0x80000047;
	[dreg:$0x4] =	wrdreg s14  }
0x7: {  	s20 =	simm.s32 $0xA80;
	[dreg:$0xb] =	wrdreg s19  }
0x8: {  	s21 =	simm.s32 $0x1280;
	[dreg:$0xc] =	wrdreg s20  }
0x9: {  	s22 =	simm.s32 $0x1A80;
	[dreg:$0xd] =	wrdreg s21  }
0xa: {  	s23 =	simm.s32 $0x2280;
	[dreg:$0xe] =	wrdreg s22  }
0xb: {  	s24 =	simm.s32 $0x2A80;
	[dreg:$0xf] =	wrdreg s23  }
0xc: {  	s25 =	simm.s32 $0x3280;
	[dreg:$0x10] =	wrdreg s24  }
0xd: {  	s26 =	simm.s32 $0x3A80;
	[dreg:$0x11] =	wrdreg s25  }
0xe: {  	s1 =	simm.s32 $0x4280;
	[dreg:$0x12] =	wrdreg s26  }
0xf: {  	s13 =	stileid.u32;
	s8 =	simm.s32 $0x6280;
	[dreg:$0x13] =	wrdreg s1  }
0x10: {  	s9 =	simm.s32 $0x6A80;
	s10 =	simm.s32 $0x7280;
	[dreg:$0x17] =	wrdreg s8  }
0x11: {  	s11 =	simm.s32 $0x7A80;
	s12 =	simm.s32 $0x8280;
	[dreg:$0x18] =	wrdreg s9  }
0x12: {  	s28 =	simm.s32 $0x16280;
	s29 =	simm.s32 $0x16A80;
	[dreg:$0x19] =	wrdreg s10  }
0x13: {  	s30 =	simm.s32 $0x17280;
	s5 =	sshll.u32 s13, $0x5;
	[dreg:$0x1a] =	wrdreg s11  }
0x14: {  	s13 =	simm.s32 $0x8A80;
	s6 =	sshll.u32 s4, $0x4;
	[dreg:$0x1b] =	wrdreg s12  }
0x15: {  	s5 =	sor.u32 s6, s5;
	s6 =	simm.s32 $0x5280;
	[dreg:$0x1c] =	wrdreg s13  }
0x16: {  	s31 =	simm.s32 $0x17A80;
	s14 =	simm.s32 $0x9280;
	[dreg:$0x15] =	wrdreg s6  }
0x17: {  	s4 =	ssub.s32 $0x2, s4;
	s19 =	simm.s32 $0xB280;
	[dreg:$0x1d] =	wrdreg s14  }
0x18: {  	s20 =	simm.s32 $0xBA80;
	s21 =	simm.s32 $0xC280;
	[smem:$0x7F6] =	sst s19  }
0x19: {  	s22 =	simm.s32 $0xCA80;
	s8 =	simm.s32 $0x80;
	[smem:$0x7F7] =	sst s20  }
0x1a: {  	s23 =	simm.s32 $0xD280;
	s9 =	simm.s32 $0x180;
	[smem:$0x7F8] =	sst s21  }
0x1b: {  	s24 =	simm.s32 $0xDA80;
	s10 =	simm.s32 $0x18280;
	[smem:$0x7F9] =	sst s22  }
0x1c: {  	s25 =	simm.s32 $0xE280;
	s11 =	simm.s32 $0x200;
	[smem:$0x7FA] =	sst s23  }
0x1d: {  	s26 =	simm.s32 $0xEA80;
	s12 =	simm.s32 $0x280;
	[smem:$0x7FB] =	sst s24  }
0x1e: {  	s7 =	sadd.s32 s5, s0;
	s5 =	smul.u32 $0x300, s5;
	[smem:$0x7FC] =	sst s25  }
0x1f: {  	[smem:$0x7FD] =	sst s26;
	s14 =	simm.s32 $0xFA80;
	s19 =	simm.s32 $0x12280  }
0x20: {  	s20 =	simm.s32 $0x12A80;
	s21 =	simm.s32 $0x13280;
	s15 =	sadd.s32 $0x1E00, s7  }
0x21: {  	s22 =	simm.s32 $0x13A80;
	s16 =	sadd.s32 $0x2200, s7;
	[dreg:$0x6] =	wrdreg s15  }
0x22: {  	s23 =	simm.s32 $0x14280;
	s17 =	sadd.s32 $0x2000, s7;
	[dreg:$0x7] =	wrdreg s16  }
0x23: {  	s24 =	simm.s32 $0x14A80;
	s18 =	sadd.s32 $0x71600, s7;
	[dreg:$0x8] =	wrdreg s17  }
0x24: {  	s25 =	simm.s32 $0x15280;
	s7 =	simm.s32 $0x5A80;
	[dreg:$0x9] =	wrdreg s18  }
0x25: {  	s26 =	simm.s32 $0x15A80;
	s3 =	sadd.s32 s3, s5;
	[dreg:$0x16] =	wrdreg s7  }
0x26: {  	s5 =	simm.s32 $0x4A80;
	s15 =	simm.s32 $0x9A80;
	[dreg:$0xa] =	wrdreg s3  }
0x27: {  	v10 =	vlaneseq.u32;
	s16 =	sshrl.u32 s4, $0x1;
	s17 =	simm.s32 $0xA280;
	[dreg:$0x14] =	wrdreg s5  }
0x28: {  	v0 =	vmul.u32 $0x80, v10;
	s18 =	simm.s32 $0xAA80;
	s7 =	simm.s32 $0x2;
	[dreg:$0x1e] =	wrdreg s15  }
0x29: {  	vm0 =	vmmov $0xffff;
	v9 =	vshrl.u32 v10, $0x3;
	v8 =	vand.u32 $0x7, v10;
	s3 =	sadd.s32 $0x2600, s0;
	s6 =	ssub.s32 s4, s16;
	[dreg:$0x1f] =	wrdreg s17  }
0x2a: {  	v10 =	vor.u32 $0x8, v10;
	v9 =	vmul.u32 $0x8, v9;
	v1 =	vor.u32 $0x800, v0;
	s4 =	sadd.s32 $0x2700, s0;
	[smem:$0x7F5] =	sst s18;
	s5 =	sadd.s32 $0x2800, s0  }
0x2b: {  	v2 =	vor.u32 $0x1000, v0;
	v3 =	vor.u32 $0x1800, v0;
	v4 =	vor.u32 $0x2000, v0;
	s15 =	simm.s32 $0x10280;
	s16 =	simm.s32 $0x10A80;
	s17 =	simm.s32 $0x11280  }
0x2c: {  	v5 =	vor.u32 $0x2800, v0;
	v6 =	vor.u32 $0x3000, v0;
	v7 =	vor.u32 $0x3800, v0;
	s18 =	simm.s32 $0x11A80;
	s0 =	simm.s32 $0x1;
	s6 =	smax.u32 s6, $0x1  }
.LBB2_1:
0x2d: {  	s1 =	rddreg [dreg:$0x6]  }
0x2e: {  	[tilespmem:s2], [sflag:$0x2] =	stream.linear.gather [hbm4b:s1+s2], $0x80, $0x38;
	[tilespmem:$0x1C280] =	vst v63  }
0x2f: {  	_ =	swait.ge [sflag:s7], $0x80  }
0x30: {  	[sflag:s7] =	ssyncset.done $0x0  }
0x31: {  	s13 =	rddreg [dreg:$0x7];
	[sflag:s7] =	ssyncadd.s32 $0xFFFFFF80  }
0x32: {  	[tilespmem:s8], [sflag:$0x2] =	stream.linear.gather [hbm4b:s13+s2], $0x80, $0x38;
	[tilespmem:$0x1C280] =	vst v63  }
0x33: {  	_ =	swait.ge [sflag:s7], $0x80  }
0x34: {  	s1 =	rddreg [dreg:$0x8];
	[sflag:s7] =	ssyncset.done $0x0  }
0x35: {  	s13 =	rddreg [dreg:$0xb];
	[sflag:s7] =	ssyncadd.s32 $0xFFFFFF80  }
0x36: {  	[tilespmem:s13], [sflag:$0x2] =	stream.linear.gather [hbm4b:s1+s2], $0x80, $0x38;
	[tilespmem:$0x1C280] =	vst v63  }
0x37: {  	_ =	swait.ge [sflag:s7], $0x80  }
0x38: {  	[sflag:s7] =	ssyncset.done $0x0  }
0x39: {  	s13 =	rddreg [dreg:$0x4];
	[sflag:s7] =	ssyncadd.s32 $0xFFFFFF80  }
0x3a: {  	[tilespmem:s9], [sflag:$0x2] =	stream.linear.gather [hbm4b:s13+s2], $0x80, $0x38;
	[tilespmem:$0x1C280] =	vst v63  }
0x3b: {  	_ =	swait.ge [sflag:s7], $0x80  }
0x3c: {  	[sflag:s7] =	ssyncset.done $0x0  }
0x3d: {  	[sflag:s7] =	ssyncadd.s32 $0xFFFFFF80  }
0x3e: {  	v11 =	vld [tilespmem:$0x0];
	_ =	sdelay $0x6  }
0x3f: {  	v12 =	vld [tilespmem:$0x80]  }
0x40: {  	v11 =	vld.idx.msk [tilespmem:v11+s9+$0x0], $0xffff;
	_ =	sdelay $0x1  }
0x41: {  	v13 =	vld [tilespmem:$0x100];
	_ =	sdelay $0x2  }
0x42: {  	v11 =	vadd.s32 v11, v12  }
0x43: {  	[tilespmem:$0x200] =	vst v11  }
0x44: {  	[tilespmem:v0+s10+$0x0] =	vst.idx.msk $0xffff, v13  }
0x45: {  	v11 =	vld [tilespmem:$0x10];
	_ =	sdelay $0x6  }
0x46: {  	v49 =	vld [tilespmem:$0x90]  }
0x47: {  	v11 =	vld.idx.msk [tilespmem:v11+s9+$0x0], $0xffff;
	_ =	sdelay $0x1  }
0x48: {  	v13 =	vld [tilespmem:$0x110];
	_ =	sdelay $0x2  }
0x49: {  	v11 =	vadd.s32 v11, v49  }
0x4a: {  	[tilespmem:$0x210] =	vst v11  }
0x4b: {  	[tilespmem:v1+s10+$0x0] =	vst.idx.msk $0xffff, v13  }
0x4c: {  	v11 =	vld [tilespmem:$0x20];
	_ =	sdelay $0x6  }
0x4d: {  	v50 =	vld [tilespmem:$0xA0]  }
0x4e: {  	v11 =	vld.idx.msk [tilespmem:v11+s9+$0x0], $0xffff;
	_ =	sdelay $0x1  }
0x4f: {  	v13 =	vld [tilespmem:$0x120];
	_ =	sdelay $0x2  }
0x50: {  	v11 =	vadd.s32 v11, v50  }
0x51: {  	[tilespmem:$0x220] =	vst v11  }
0x52: {  	[tilespmem:v2+s10+$0x0] =	vst.idx.msk $0xffff, v13  }
0x53: {  	v11 =	vld [tilespmem:$0x30];
	_ =	sdelay $0x6  }
0x54: {  	v51 =	vld [tilespmem:$0xB0]  }
0x55: {  	v11 =	vld.idx.msk [tilespmem:v11+s9+$0x0], $0xffff;
	_ =	sdelay $0x1  }
0x56: {  	v13 =	vld [tilespmem:$0x130];
	_ =	sdelay $0x2  }
0x57: {  	v11 =	vadd.s32 v11, v51  }
0x58: {  	[tilespmem:$0x230] =	vst v11  }
0x59: {  	[tilespmem:v3+s10+$0x0] =	vst.idx.msk $0xffff, v13  }
0x5a: {  	v11 =	vld [tilespmem:$0x40];
	_ =	sdelay $0x6  }
0x5b: {  	v52 =	vld [tilespmem:$0xC0]  }
0x5c: {  	v11 =	vld.idx.msk [tilespmem:v11+s9+$0x0], $0xffff;
	_ =	sdelay $0x1  }
0x5d: {  	v13 =	vld [tilespmem:$0x140];
	_ =	sdelay $0x2  }
0x5e: {  	v11 =	vadd.s32 v11, v52  }
0x5f: {  	[tilespmem:$0x240] =	vst v11  }
0x60: {  	[tilespmem:v4+s10+$0x0] =	vst.idx.msk $0xffff, v13  }
0x61: {  	v11 =	vld [tilespmem:$0x50];
	_ =	sdelay $0x6  }
0x62: {  	v53 =	vld [tilespmem:$0xD0]  }
0x63: {  	v11 =	vld.idx.msk [tilespmem:v11+s9+$0x0], $0xffff;
	_ =	sdelay $0x1  }
0x64: {  	v13 =	vld [tilespmem:$0x150];
	_ =	sdelay $0x2  }
0x65: {  	v11 =	vadd.s32 v11, v53  }
0x66: {  	[tilespmem:$0x250] =	vst v11  }
0x67: {  	[tilespmem:v5+s10+$0x0] =	vst.idx.msk $0xffff, v13  }
0x68: {  	v11 =	vld [tilespmem:$0x60];
	_ =	sdelay $0x6  }
0x69: {  	v54 =	vld [tilespmem:$0xE0]  }
0x6a: {  	v11 =	vld.idx.msk [tilespmem:v11+s9+$0x0], $0xffff;
	_ =	sdelay $0x1  }
0x6b: {  	v13 =	vld [tilespmem:$0x160];
	_ =	sdelay $0x2  }
0x6c: {  	v11 =	vadd.s32 v11, v54  }
0x6d: {  	[tilespmem:$0x260] =	vst v11  }
0x6e: {  	[tilespmem:v6+s10+$0x0] =	vst.idx.msk $0xffff, v13  }
0x6f: {  	v11 =	vld [tilespmem:$0x70];
	_ =	sdelay $0x6  }
0x70: {  	v55 =	vld [tilespmem:$0xF0]  }
0x71: {  	v11 =	vld.idx.msk [tilespmem:v11+s9+$0x0], $0xffff;
	_ =	sdelay $0x1  }
0x72: {  	v13 =	vld [tilespmem:$0x170];
	_ =	sdelay $0x2  }
0x73: {  	v11 =	vadd.s32 v11, v55  }
0x74: {  	[tilespmem:$0x270] =	vst v11  }
0x75: {  	s13 =	rddreg [dreg:$0x9];
	[tilespmem:v7+s10+$0x0] =	vst.idx.msk $0xffff, v13  }
0x76: {  	[hbm4b:s13+s2] =	stream.linear.scatter [tilespmem:s11], [sflag:$0x2], $0x80, $0x38;
	[tilespmem:$0x1C280] =	vst v63  }
0x77: {  	_ =	swait.ge [sflag:s7], $0x80  }
0x78: {  	[sflag:s7] =	ssyncset.done $0x0  }
0x79: {  	s13 =	rddreg [dreg:$0xa];
	[sflag:s7] =	ssyncadd.s32 $0xFFFFFF80  }
0x7a: {  	[tilespmem:s12], [sflag:$0x2] =	stream.linear.gather [hbm4b:s13+s2], $0x18000, $0x38;
	[tilespmem:$0x1C280] =	vst v63  }
0x7b: {  	_ =	swait.ge [sflag:s7], $0x18000  }
0x7c: {  	[sflag:s7] =	ssyncset.done $0x0  }
0x7d: {  	[sflag:s7] =	ssyncadd.s32 $0xFFFE8000  }
0x7e: {  	v11 =	vld [tilespmem:$0x200];
	_ =	sdelay $0x4  }
0x7f: {  	v56 =	vshrl.u32 v11, $0x3  }
0x80: {  	v12 =	vmul.u32 $0x30, v56  }
0x81: {  	v11 =	vand.u32 $0x7, v11  }
0x82: {  	v11 =	vor.u32 v11, v12  }
0x83: {  	v12 =	vperm.xlane v11, v8;
	_ =	sdelay $0x1  }
0x84: {  	v12 =	vadd.s32 v9, v12;
	_ =	sdelay $0x3  }
0x85: {  	v11 =	vperm.xlane v11, v10  }
0x86: {  	[hbm4b:s3+s2] =	stream.indirect_vreg.scatter [tilespmem:s12], [sflag:$0x1], $0x80, v12, vm0, $0xb8;
	[tilespmem:$0x1C280] =	vst v63  }
0x87: {  	s1 =	rddreg [dreg:$0xc];
	v11 =	vadd.s32 v9, v11  }
0x88: {  	[hbm4b:s4+s2] =	stream.indirect_vreg.scatter [tilespmem:s1], [sflag:$0x1], $0x80, v12, vm0, $0xb8;
	[tilespmem:$0x1C280] =	vst v63  }
0x89: {  	s13 =	rddreg [dreg:$0xd]  }
0x8a: {  	[hbm4b:s5+s2] =	stream.indirect_vreg.scatter [tilespmem:s13], [sflag:$0x1], $0x80, v12, vm0, $0xb8;
	[tilespmem:$0x1C280] =	vst v63  }
0x8b: {  	s1 =	rddreg [dreg:$0xe]  }
0x8c: {  	[hbm4b:s3+s2] =	stream.indirect_vreg.scatter [tilespmem:s1], [sflag:$0x1], $0x80, v11, vm0, $0xb8;
	[tilespmem:$0x1C280] =	vst v63  }
0x8d: {  	s13 =	rddreg [dreg:$0xf]  }
0x8e: {  	[hbm4b:s4+s2] =	stream.indirect_vreg.scatter [tilespmem:s13], [sflag:$0x1], $0x80, v11, vm0, $0xb8;
	[tilespmem:$0x1C280] =	vst v63  }
0x8f: {  	s1 =	rddreg [dreg:$0x10]  }
0x90: {  	[hbm4b:s5+s2] =	stream.indirect_vreg.scatter [tilespmem:s1], [sflag:$0x1], $0x80, v11, vm0, $0xb8;
	[tilespmem:$0x1C280] =	vst v63  }
0x91: {  	v11 =	vld [tilespmem:$0x210];
	_ =	sdelay $0x4  }
0x92: {  	v57 =	vshrl.u32 v11, $0x3  }
0x93: {  	v12 =	vmul.u32 $0x30, v57  }
0x94: {  	v11 =	vand.u32 $0x7, v11  }
0x95: {  	v11 =	vor.u32 v11, v12  }
0x96: {  	v12 =	vperm.xlane v11, v8;
	_ =	sdelay $0x1  }
0x97: {  	v12 =	vadd.s32 v9, v12;
	_ =	sdelay $0x3  }
0x98: {  	s1 =	rddreg [dreg:$0x11];
	v11 =	vperm.xlane v11, v10  }
0x99: {  	[hbm4b:s3+s2] =	stream.indirect_vreg.scatter [tilespmem:s1], [sflag:$0x1], $0x80, v12, vm0, $0xb8;
	[tilespmem:$0x1C280] =	vst v63  }
0x9a: {  	s13 =	rddreg [dreg:$0x12];
	v11 =	vadd.s32 v9, v11  }
0x9b: {  	[hbm4b:s4+s2] =	stream.indirect_vreg.scatter [tilespmem:s13], [sflag:$0x1], $0x80, v12, vm0, $0xb8;
	[tilespmem:$0x1C280] =	vst v63  }
0x9c: {  	s1 =	rddreg [dreg:$0x13]  }
0x9d: {  	[hbm4b:s5+s2] =	stream.indirect_vreg.scatter [tilespmem:s1], [sflag:$0x1], $0x80, v12, vm0, $0xb8;
	[tilespmem:$0x1C280] =	vst v63  }
0x9e: {  	s13 =	rddreg [dreg:$0x14]  }
0x9f: {  	[hbm4b:s3+s2] =	stream.indirect_vreg.scatter [tilespmem:s13], [sflag:$0x1], $0x80, v11, vm0, $0xb8;
	[tilespmem:$0x1C280] =	vst v63  }
0xa0: {  	s1 =	rddreg [dreg:$0x15]  }
0xa1: {  	[hbm4b:s4+s2] =	stream.indirect_vreg.scatter [tilespmem:s1], [sflag:$0x1], $0x80, v11, vm0, $0xb8;
	[tilespmem:$0x1C280] =	vst v63  }
0xa2: {  	s13 =	rddreg [dreg:$0x16]  }
0xa3: {  	[hbm4b:s5+s2] =	stream.indirect_vreg.scatter [tilespmem:s13], [sflag:$0x1], $0x80, v11, vm0, $0xb8;
	[tilespmem:$0x1C280] =	vst v63  }
0xa4: {  	v11 =	vld [tilespmem:$0x220];
	_ =	sdelay $0x4  }
0xa5: {  	v58 =	vshrl.u32 v11, $0x3  }
0xa6: {  	v12 =	vmul.u32 $0x30, v58  }
0xa7: {  	v11 =	vand.u32 $0x7, v11  }
0xa8: {  	v11 =	vor.u32 v11, v12  }
0xa9: {  	v12 =	vperm.xlane v11, v8;
	_ =	sdelay $0x1  }
0xaa: {  	v12 =	vadd.s32 v9, v12;
	_ =	sdelay $0x3  }
0xab: {  	s1 =	rddreg [dreg:$0x17];
	v11 =	vperm.xlane v11, v10  }
0xac: {  	[hbm4b:s3+s2] =	stream.indirect_vreg.scatter [tilespmem:s1], [sflag:$0x1], $0x80, v12, vm0, $0xb8;
	[tilespmem:$0x1C280] =	vst v63  }
0xad: {  	s13 =	rddreg [dreg:$0x18];
	v11 =	vadd.s32 v9, v11  }
0xae: {  	[hbm4b:s4+s2] =	stream.indirect_vreg.scatter [tilespmem:s13], [sflag:$0x1], $0x80, v12, vm0, $0xb8;
	[tilespmem:$0x1C280] =	vst v63  }
0xaf: {  	s1 =	rddreg [dreg:$0x19]  }
0xb0: {  	[hbm4b:s5+s2] =	stream.indirect_vreg.scatter [tilespmem:s1], [sflag:$0x1], $0x80, v12, vm0, $0xb8;
	[tilespmem:$0x1C280] =	vst v63  }
0xb1: {  	s13 =	rddreg [dreg:$0x1a]  }
0xb2: {  	[hbm4b:s3+s2] =	stream.indirect_vreg.scatter [tilespmem:s13], [sflag:$0x1], $0x80, v11, vm0, $0xb8;
	[tilespmem:$0x1C280] =	vst v63  }
0xb3: {  	s1 =	rddreg [dreg:$0x1b]  }
0xb4: {  	[hbm4b:s4+s2] =	stream.indirect_vreg.scatter [tilespmem:s1], [sflag:$0x1], $0x80, v11, vm0, $0xb8;
	[tilespmem:$0x1C280] =	vst v63  }
0xb5: {  	s13 =	rddreg [dreg:$0x1c]  }
0xb6: {  	[hbm4b:s5+s2] =	stream.indirect_vreg.scatter [tilespmem:s13], [sflag:$0x1], $0x80, v11, vm0, $0xb8;
	[tilespmem:$0x1C280] =	vst v63  }
0xb7: {  	v11 =	vld [tilespmem:$0x230];
	_ =	sdelay $0x4  }
0xb8: {  	v59 =	vshrl.u32 v11, $0x3  }
0xb9: {  	v12 =	vmul.u32 $0x30, v59  }
0xba: {  	v11 =	vand.u32 $0x7, v11  }
0xbb: {  	v11 =	vor.u32 v11, v12  }
0xbc: {  	v12 =	vperm.xlane v11, v8;
	_ =	sdelay $0x1  }
0xbd: {  	v12 =	vadd.s32 v9, v12;
	_ =	sdelay $0x2  }
0xbe: {  	s1 =	rddreg [dreg:$0x1d]  }
0xbf: {  	s13 =	rddreg [dreg:$0x1e];
	v11 =	vperm.xlane v11, v10  }
0xc0: {  	[hbm4b:s3+s2] =	stream.indirect_vreg.scatter [tilespmem:s1], [sflag:$0x1], $0x80, v12, vm0, $0xb8;
	[tilespmem:$0x1C280] =	vst v63  }
0xc1: {  	v11 =	vadd.s32 v9, v11;
	s1 =	rddreg [dreg:$0x1f]  }
0xc2: {  	[hbm4b:s4+s2] =	stream.indirect_vreg.scatter [tilespmem:s13], [sflag:$0x1], $0x80, v12, vm0, $0xb8;
	[tilespmem:$0x1C280] =	vst v63  }
0xc3: {  	s13 =	sld [smem:$0x7F5]  }
0xc4: {  	[hbm4b:s5+s2] =	stream.indirect_vreg.scatter [tilespmem:s1], [sflag:$0x1], $0x80, v12, vm0, $0xb8;
	[tilespmem:$0x1C280] =	vst v63  }
0xc5: {  	s1 =	sld [smem:$0x7F6]  }
0xc6: {  	[hbm4b:s3+s2] =	stream.indirect_vreg.scatter [tilespmem:s13], [sflag:$0x1], $0x80, v11, vm0, $0xb8;
	[tilespmem:$0x1C280] =	vst v63  }
0xc7: {  	s13 =	sld [smem:$0x7F7]  }
0xc8: {  	[hbm4b:s4+s2] =	stream.indirect_vreg.scatter [tilespmem:s1], [sflag:$0x1], $0x80, v11, vm0, $0xb8;
	[tilespmem:$0x1C280] =	vst v63  }
0xc9: {  	_ = 	snop  }
0xca: {  	[hbm4b:s5+s2] =	stream.indirect_vreg.scatter [tilespmem:s13], [sflag:$0x1], $0x80, v11, vm0, $0xb8;
	[tilespmem:$0x1C280] =	vst v63  }
0xcb: {  	v11 =	vld [tilespmem:$0x240];
	_ =	sdelay $0x4  }
0xcc: {  	v60 =	vshrl.u32 v11, $0x3  }
0xcd: {  	v12 =	vmul.u32 $0x30, v60  }
0xce: {  	v11 =	vand.u32 $0x7, v11  }
0xcf: {  	v11 =	vor.u32 v11, v12  }
0xd0: {  	v12 =	vperm.xlane v11, v8;
	_ =	sdelay $0x1  }
0xd1: {  	v12 =	vadd.s32 v9, v12;
	_ =	sdelay $0x1  }
0xd2: {  	s1 =	sld [smem:$0x7F8];
	_ =	sdelay $0x1  }
0xd3: {  	s13 =	sld [smem:$0x7F9];
	v11 =	vperm.xlane v11, v10  }
0xd4: {  	[hbm4b:s3+s2] =	stream.indirect_vreg.scatter [tilespmem:s1], [sflag:$0x1], $0x80, v12, vm0, $0xb8;
	[tilespmem:$0x1C280] =	vst v63  }
0xd5: {  	v11 =	vadd.s32 v9, v11;
	s1 =	sld [smem:$0x7FA]  }
0xd6: {  	[hbm4b:s4+s2] =	stream.indirect_vreg.scatter [tilespmem:s13], [sflag:$0x1], $0x80, v12, vm0, $0xb8;
	[tilespmem:$0x1C280] =	vst v63  }
0xd7: {  	s13 =	sld [smem:$0x7FB]  }
0xd8: {  	[hbm4b:s5+s2] =	stream.indirect_vreg.scatter [tilespmem:s1], [sflag:$0x1], $0x80, v12, vm0, $0xb8;
	[tilespmem:$0x1C280] =	vst v63  }
0xd9: {  	s1 =	sld [smem:$0x7FC]  }
0xda: {  	[hbm4b:s3+s2] =	stream.indirect_vreg.scatter [tilespmem:s13], [sflag:$0x1], $0x80, v11, vm0, $0xb8;
	[tilespmem:$0x1C280] =	vst v63  }
0xdb: {  	s13 =	sld [smem:$0x7FD]  }
0xdc: {  	[hbm4b:s4+s2] =	stream.indirect_vreg.scatter [tilespmem:s1], [sflag:$0x1], $0x80, v11, vm0, $0xb8;
	[tilespmem:$0x1C280] =	vst v63  }
0xdd: {  	_ = 	snop  }
0xde: {  	[hbm4b:s5+s2] =	stream.indirect_vreg.scatter [tilespmem:s13], [sflag:$0x1], $0x80, v11, vm0, $0xb8;
	[tilespmem:$0x1C280] =	vst v63  }
0xdf: {  	v11 =	vld [tilespmem:$0x250];
	_ =	sdelay $0x4  }
0xe0: {  	v61 =	vshrl.u32 v11, $0x3  }
0xe1: {  	v12 =	vmul.u32 $0x30, v61  }
0xe2: {  	v11 =	vand.u32 $0x7, v11  }
0xe3: {  	v11 =	vor.u32 v11, v12  }
0xe4: {  	v12 =	vperm.xlane v11, v8;
	_ =	sdelay $0x1  }
0xe5: {  	v12 =	vadd.s32 v9, v12;
	_ =	sdelay $0x3  }
0xe6: {  	s13 =	simm.s32 $0xF280;
	v11 =	vperm.xlane v11, v10  }
0xe7: {  	[hbm4b:s3+s2] =	stream.indirect_vreg.scatter [tilespmem:s13], [sflag:$0x1], $0x80, v12, vm0, $0xb8;
	[tilespmem:$0x1C280] =	vst v63  }
0xe8: {  	v11 =	vadd.s32 v9, v11  }
0xe9: {  	[hbm4b:s4+s2] =	stream.indirect_vreg.scatter [tilespmem:s14], [sflag:$0x1], $0x80, v12, vm0, $0xb8;
	[tilespmem:$0x1C280] =	vst v63  }
0xea: {  	_ = 	snop  }
0xeb: {  	[hbm4b:s5+s2] =	stream.indirect_vreg.scatter [tilespmem:s15], [sflag:$0x1], $0x80, v12, vm0, $0xb8;
	[tilespmem:$0x1C280] =	vst v63  }
0xec: {  	_ = 	snop  }
0xed: {  	[hbm4b:s3+s2] =	stream.indirect_vreg.scatter [tilespmem:s16], [sflag:$0x1], $0x80, v11, vm0, $0xb8;
	[tilespmem:$0x1C280] =	vst v63  }
0xee: {  	_ = 	snop  }
0xef: {  	[hbm4b:s4+s2] =	stream.indirect_vreg.scatter [tilespmem:s17], [sflag:$0x1], $0x80, v11, vm0, $0xb8;
	[tilespmem:$0x1C280] =	vst v63  }
0xf0: {  	_ = 	snop  }
0xf1: {  	[hbm4b:s5+s2] =	stream.indirect_vreg.scatter [tilespmem:s18], [sflag:$0x1], $0x80, v11, vm0, $0xb8;
	[tilespmem:$0x1C280] =	vst v63  }
0xf2: {  	v11 =	vld [tilespmem:$0x260];
	_ =	sdelay $0x4  }
0xf3: {  	v62 =	vshrl.u32 v11, $0x3  }
0xf4: {  	v12 =	vmul.u32 $0x30, v62  }
0xf5: {  	v11 =	vand.u32 $0x7, v11  }
0xf6: {  	v11 =	vor.u32 v11, v12  }
0xf7: {  	v12 =	vperm.xlane v11, v8;
	_ =	sdelay $0x1  }
0xf8: {  	v12 =	vadd.s32 v9, v12;
	_ =	sdelay $0x3  }
0xf9: {  	v11 =	vperm.xlane v11, v10  }
0xfa: {  	[hbm4b:s3+s2] =	stream.indirect_vreg.scatter [tilespmem:s19], [sflag:$0x1], $0x80, v12, vm0, $0xb8;
	[tilespmem:$0x1C280] =	vst v63  }
0xfb: {  	v11 =	vadd.s32 v9, v11  }
0xfc: {  	[hbm4b:s4+s2] =	stream.indirect_vreg.scatter [tilespmem:s20], [sflag:$0x1], $0x80, v12, vm0, $0xb8;
	[tilespmem:$0x1C280] =	vst v63  }
0xfd: {  	_ = 	snop  }
0xfe: {  	[hbm4b:s5+s2] =	stream.indirect_vreg.scatter [tilespmem:s21], [sflag:$0x1], $0x80, v12, vm0, $0xb8;
	[tilespmem:$0x1C280] =	vst v63  }
0xff: {  	_ = 	snop  }
0x100: {  	[hbm4b:s3+s2] =	stream.indirect_vreg.scatter [tilespmem:s22], [sflag:$0x1], $0x80, v11, vm0, $0xb8;
	[tilespmem:$0x1C280] =	vst v63  }
0x101: {  	_ = 	snop  }
0x102: {  	[hbm4b:s4+s2] =	stream.indirect_vreg.scatter [tilespmem:s23], [sflag:$0x1], $0x80, v11, vm0, $0xb8;
	[tilespmem:$0x1C280] =	vst v63  }
0x103: {  	_ = 	snop  }
0x104: {  	[hbm4b:s5+s2] =	stream.indirect_vreg.scatter [tilespmem:s24], [sflag:$0x1], $0x80, v11, vm0, $0xb8;
	[tilespmem:$0x1C280] =	vst v63  }
0x105: {  	v11 =	vld [tilespmem:$0x270];
	_ =	sdelay $0x4  }
0x106: {  	v63 =	vshrl.u32 v11, $0x3  }
0x107: {  	v12 =	vmul.u32 $0x30, v63  }
0x108: {  	v11 =	vand.u32 $0x7, v11  }
0x109: {  	v11 =	vor.u32 v11, v12  }
0x10a: {  	v12 =	vperm.xlane v11, v8;
	_ =	sdelay $0x1  }
0x10b: {  	v12 =	vadd.s32 v9, v12;
	_ =	sdelay $0x3  }
0x10c: {  	v11 =	vperm.xlane v11, v10  }
0x10d: {  	[hbm4b:s3+s2] =	stream.indirect_vreg.scatter [tilespmem:s25], [sflag:$0x1], $0x80, v12, vm0, $0xb8;
	[tilespmem:$0x1C280] =	vst v63  }
0x10e: {  	v11 =	vadd.s32 v9, v11  }
0x10f: {  	[hbm4b:s4+s2] =	stream.indirect_vreg.scatter [tilespmem:s26], [sflag:$0x1], $0x80, v12, vm0, $0xb8;
	[tilespmem:$0x1C280] =	vst v63  }
0x110: {  	_ = 	snop  }
0x111: {  	[hbm4b:s5+s2] =	stream.indirect_vreg.scatter [tilespmem:s28], [sflag:$0x1], $0x80, v12, vm0, $0xb8;
	[tilespmem:$0x1C280] =	vst v63  }
0x112: {  	_ = 	snop  }
0x113: {  	[hbm4b:s3+s2] =	stream.indirect_vreg.scatter [tilespmem:s29], [sflag:$0x1], $0x80, v11, vm0, $0xb8;
	[tilespmem:$0x1C280] =	vst v63  }
0x114: {  	_ = 	snop  }
0x115: {  	[hbm4b:s4+s2] =	stream.indirect_vreg.scatter [tilespmem:s30], [sflag:$0x1], $0x80, v11, vm0, $0xb8;
	[tilespmem:$0x1C280] =	vst v63  }
0x116: {  	_ = 	snop  }
0x117: {  	[hbm4b:s5+s2] =	stream.indirect_vreg.scatter [tilespmem:s31], [sflag:$0x1], $0x80, v11, vm0, $0xb8;
	[tilespmem:$0x1C280] =	vst v63  }
0x118: {  	_ =	swait.ge [sflag:s0], $0x18000  }
0x119: {  	p0 =	sne.s32 s6, $0x1;
	[sflag:s0] =	ssyncset.done $0x0  }
.Ltmp0:
0x11a: {  	s13 =	rddreg [dreg:$0x5];
	[sflag:s0] =	ssyncadd.s32 $0xFFFE8000;
	(pc) =	sbr.rel @p0 .LBB2_1-.Ltmp0, $4  }
0x11b: {  	[hbm4b:s13+s8] =	stream.indirect.scatter [tilespmem:s10], [sflag:$0x1], $0x80, s11, s8, $0xb8;
	[tilespmem:$0x1C280] =	vst v63  }
0x11c: {  	_ =	swait.ge [sflag:s0], $0x4000  }
0x11d: {  	[sflag:s0] =	ssyncset.done $0x0  }
0x11e: {  	s6 =	sadd.s32 $0xFFFFFFFF, s6;
	[sflag:s0] =	ssyncadd.s32 $0xFFFFC000  }
0x11f: {  	_ =	sfence.sel $0x180000  }
0x120: {  	[bflag:$0x0] =	sbarrier.arrive $0xFFFF  }
0x121: {  	_ =	strace $0x90000047  }
0x122: {  	s0 =	stileid.u32;
	[bflag:$0x2] =	sbarrier.arrive $0xFFFF  }
0x123: {  	p0 =	sne.s32 s0, $0x0;
	s0 =	rddreg [dreg:$0x3]  }
0x124: {  	s0 =	sadd.s32 @!p0 $0x100000, s0  }
0x125: {  	[sflag:s0] =	ssyncadd.tile.s32 @!p0 $0x1;
	_ =	shalt  }
.Lfunc_end2:
_tile_overlayer_lowered:
.L_overlay_start_2:
0x126: {  	(tag) =	ssettag $0x2  }
0x127: {  	s0 =	rddreg [dreg:$0x0];
	s2 =	stileid.u32  }
0x128: {  	s1 =	rddreg [dreg:$0x1];
	p0 =	sne.s32 s2, $0x0  }
0x129: {  	s3 =	rddreg [dreg:$0x2];
	[bflag:$0x3] =	sbarrier.arrive $0xFFFF;
	s2 =	simm.s32 @!p0 $0x1C02  }
0x12a: {  	[timem:s3], [sflag:s2] =	dma.local @!p0 [hbm:s0], s1  }
0x12b: {  	s0 =	simm.s32 @!p0 $0x2  }
0x12c: {  	_ =	swait.ge @!p0 [sflag:s0], s1  }
0x12d: {  	s1 =	ssub.s32 @!p0 $0x0, s1;
	[sflag:s0] =	ssyncset.done @!p0 $0x0  }
0x12e: {  	[sflag:s0] =	ssyncadd.s32 @!p0 s1  }
0x12f: {  	[bflag:$0x3] =	sbarrier.arrive $0xFFFF  }
0x130: {  	_ =	shalt  }

// kernel: kernel.9.cloned.1.call-start
scs
__scs_entry_jumppad:
0x0: {  	(pc) =	sbr.rel $0x88, $3  }
0x1: {  	(tag) =	ssettag $0x0;
	lr =	simm.s32 $0x1  }
0x2: {  	[smem:$0x3F9B] =	sst lr;
	_ =	strace $0xD0000000  }
0x3: {  	_ = 	snop  }
0x4: {  	_ = 	snop  }
0x5: {  	_ = 	snop  }
0x6: {  	_ = 	snop  }
0x7: {  	_ = 	snop  }
__scs_overlays_trampoline_lowered:
0x8: {  	[smem:$0x3FAA] =	sst s0  }
0x9: {  	[smem:$0x3FAB] =	sst s1  }
0xa: {  	[smem:$0x3FAC] =	sst s2  }
0xb: {  	[smem:$0x3FAD] =	sst s3  }
0xc: {  	[smem:$0x3FAE] =	sst s4  }
0xd: {  	[smem:$0x3FAF] =	sst s5  }
0xe: {  	[smem:$0x3FB0] =	sst s6  }
0xf: {  	[smem:$0x3FB1] =	sst s7  }
0x10: {  	[smem:$0x3FB2] =	sst s8  }
0x11: {  	[smem:$0x3FB3] =	sst s9;
	s0 =	simm.s32 @!p0 $0x0  }
0x12: {  	s1 =	sld [smem:$0x3F99];
	s0 =	simm.s32 @p0 $0x1  }
0x13: {  	[smem:$0x3FB4] =	sst s0;
	s0 =	simm.s32 @!p1 $0x0  }
0x14: {  	s2 =	sld [smem:$0x3F98];
	s0 =	simm.s32 @p1 $0x1  }
0x15: {  	[smem:$0x3FB5] =	sst s0;
	s0 =	simm.s32 @!p2 $0x0  }
0x16: {  	s3 =	sld [smem:$0x3FDB];
	s0 =	simm.s32 @p2 $0x1  }
0x17: {  	s4 =	simm.s32 $0x1BF5;
	[smem:$0x3FB7] =	sst s0  }
0x18: {  	s0 =	sld [smem:$0x3F9A];
	_ =	swait.ge [sflag:s4], $0x0  }
0x19: {  	s7 =	sld [smem:$0x3F9B]  }
0x1a: {  	s8 =	sadd.s32 $0xFFFFE003, lr  }
0x1b: {  	s9 =	sadd.s32 $0xFFFFFEF7, lr;
	s5 =	simm.s32 $0xFFFFFFFF;
	p2 =	slt.u32 s8, $0xFFFFF086  }
0x1c: {  	p1 =	slt.u32 s9, $0xF7A;
	s5 =	simm.s32 @!p2 $0x0  }
0x1d: {  	s5 =	simm.s32 @p1 $0x1;
	p0 =	seq.s32 s7, s2  }
0x1e: {  	s7 =	smul.u32 @!p0 $0xF7A, s2;
	p2 =	seq.s32 @!p0 s5, $0x0  }
0x1f: {  	s9 =	smul.u32 $0xF7A, s1;
	s8 =	simm.s32 @!p0 $0x1BF5;
	p2 =	por !p2, p0  }
0x20: {  	[sflag:s8] =	ssyncset.s32 @!p0 $0xFFFFF086;
	s6 =	sadd.s32 @!p0 s3, s7;
	s7 =	simm.s32 @!p0 $0x108  }
0x21: {  	s3 =	sadd.s32 s3, s9;
	s6 =	sadd.s32 @!p0 $0x88, s6;
	s7 =	simm.s32 @p2 $0x1082  }
0x22: {  	[simem:s7], [sflag:s8] =	dma.local @!p0 [hbm:s6], $0xF7A  }
0x23: {  	s9 =	sor.u32 $0xD0000000, s2;
	s6 =	simm.s32 $0x108;
	_ =	swait.ge @!p0 [sflag:s8], $0x0  }
0x24: {  	s3 =	sadd.s32 $0x88, s3;
	s6 =	simm.s32 @!p1 $0x1082;
	[sflag:s4] =	ssyncset.s32 $0xFFFFF086  }
0x25: {  	[simem:s6], [sflag:s4] =	dma.local [hbm:s3], $0xF7A  }
0x26: {  	[smem:$0x3F9B] =	sst s1;
	(tag) =	ssettag s2;
	_ =	strace s9  }
0x27: {  	s1 =	sld [smem:$0x3FAB]  }
0x28: {  	s2 =	sld [smem:$0x3FAC]  }
0x29: {  	s4 =	sld [smem:$0x3FAE]  }
0x2a: {  	p0 =	seq.s32 s5, $0x0;
	s5 =	sld [smem:$0x3FAF]  }
0x2b: {  	s6 =	sld [smem:$0x3FB0]  }
0x2c: {  	s7 =	sld [smem:$0x3FB1]  }
0x2d: {  	s3 =	simm.s32 $0x108;
	s8 =	sld [smem:$0x3FB2]  }
0x2e: {  	s3 =	simm.s32 @!p0 $0x1082;
	s9 =	sld [smem:$0x3FB3]  }
0x2f: {  	lr =	sadd.s32 s0, s3;
	s0 =	sld [smem:$0x3FAA]  }
0x30: {  	s3 =	sld [smem:$0x3FAD]  }
0x31: {  	[smem:$0x3FB6] =	sst s10  }
0x32: {  	s10 =	sld [smem:$0x3FB4];
	_ =	sdelay $0x3  }
0x33: {  	p0 =	seq.s32 s10, $0x1;
	s10 =	sld [smem:$0x3FB6];
	_ =	sdelay $0x3  }
0x34: {  	[smem:$0x3FB6] =	sst s10  }
0x35: {  	s10 =	sld [smem:$0x3FB5];
	_ =	sdelay $0x3  }
0x36: {  	p1 =	seq.s32 s10, $0x1;
	s10 =	sld [smem:$0x3FB6];
	_ =	sdelay $0x3  }
0x37: {  	[smem:$0x3FB6] =	sst s10  }
0x38: {  	s10 =	sld [smem:$0x3FB7]  }
0x39: {  	_ = 	snop;
	(pc) =	sbr.ind lr, $3  }
0x3a: {  	_ = 	snop  }
0x3b: {  	_ = 	snop  }
0x3c: {  	p2 =	seq.s32 s10, $0x1;
	s10 =	sld [smem:$0x3FB6]  }
0x3d: {  	_ =	shalt  }
0x3e: {  	_ =	shalt  }
0x3f: {  	_ =	shalt  }
0x40: {  	_ =	shalt  }
0x41: {  	_ =	shalt  }
0x42: {  	_ =	shalt  }
0x43: {  	_ =	shalt  }
0x44: {  	_ =	shalt  }
0x45: {  	_ =	shalt  }
0x46: {  	_ =	shalt  }
0x47: {  	_ =	shalt  }
0x48: {  	_ =	shalt  }
0x49: {  	_ =	shalt  }
0x4a: {  	_ =	shalt  }
0x4b: {  	_ =	shalt  }
0x4c: {  	_ =	shalt  }
0x4d: {  	_ =	shalt  }
0x4e: {  	_ =	shalt  }
0x4f: {  	_ =	shalt  }
0x50: {  	_ =	shalt  }
0x51: {  	_ =	shalt  }
0x52: {  	_ =	shalt  }
0x53: {  	_ =	shalt  }
0x54: {  	_ =	shalt  }
0x55: {  	_ =	shalt  }
0x56: {  	_ =	shalt  }
0x57: {  	_ =	shalt  }
0x58: {  	_ =	shalt  }
0x59: {  	_ =	shalt  }
0x5a: {  	_ =	shalt  }
0x5b: {  	_ =	shalt  }
0x5c: {  	_ =	shalt  }
0x5d: {  	_ =	shalt  }
0x5e: {  	_ =	shalt  }
0x5f: {  	_ =	shalt  }
0x60: {  	_ =	shalt  }
0x61: {  	_ =	shalt  }
0x62: {  	_ =	shalt  }
0x63: {  	_ =	shalt  }
0x64: {  	_ =	shalt  }
0x65: {  	_ =	shalt  }
0x66: {  	_ =	shalt  }
0x67: {  	_ =	shalt  }
0x68: {  	_ =	shalt  }
0x69: {  	_ =	shalt  }
0x6a: {  	_ =	shalt  }
0x6b: {  	_ =	shalt  }
0x6c: {  	_ =	shalt  }
0x6d: {  	_ =	shalt  }
0x6e: {  	_ =	shalt  }
0x6f: {  	_ =	shalt  }
0x70: {  	_ =	shalt  }
0x71: {  	_ =	shalt  }
0x72: {  	_ =	shalt  }
0x73: {  	_ =	shalt  }
0x74: {  	_ =	shalt  }
0x75: {  	_ =	shalt  }
0x76: {  	_ =	shalt  }
0x77: {  	_ =	shalt  }
0x78: {  	_ =	shalt  }
0x79: {  	_ =	shalt  }
0x7a: {  	_ =	shalt  }
0x7b: {  	_ =	shalt  }
0x7c: {  	_ =	shalt  }
0x7d: {  	_ =	shalt  }
0x7e: {  	_ =	shalt  }
0x7f: {  	_ =	shalt  }
0x80: {  	_ =	shalt  }
0x81: {  	_ =	shalt  }
0x82: {  	_ =	shalt  }
0x83: {  	_ =	shalt  }
0x84: {  	_ =	shalt  }
0x85: {  	_ =	shalt  }
0x86: {  	_ =	shalt  }
0x87: {  	_ =	shalt  }
.Lfunc_end0:
.L_simem_size_0:
called_computation.1_lowered:
.L_overlay_start_0:
0x88: {  	s2 =	sld [smem:$0x3FD9]  }
0x89: {  	s3 =	sld [smem:$0x3FFE];
	_ =	sdelay $0x1  }
0x8a: {  	s1 =	srdreg.scid  }
0x8b: {  	s0 =	sand.u32 $0x1, s1  }
0x8c: {  	s14 =	sshll.u32 s0, $0xA;
	s2 =	sadd.s32 s3, s2  }
0x8d: {  	s2 =	sadd.s32 s2, s14  }
0x8e: {  	[smem:$0x3FC2] =	sst s2  }
0x8f: {  	_ = 	snop  }
0x90: {  	s2 =	sld [smem:$0x3FD0];
	_ =	sdelay $0x2  }
0x91: {  	s15 =	simm.s32 $0xA;
	s4 =	simm.s32 $0x10  }
0x92: {  	[smem:s4], [sflag:s15] =	dma.local [hbm:s2], $0x1  }
0x93: {  	_ =	swait.eq [sflag:s15], $0x1  }
0x94: {  	[sflag:s15] =	ssyncset.done $0x0  }
0x95: {  	[sflag:s15] =	ssyncadd.s32 $0xFFFFFFFF  }
0x96: {  	s16 =	sld [smem:$0x10];
	(tm) =	ssettm $0x1  }
0x97: {  	s17 =	sld [smem:$0x3FFB];
	_ =	sdelay $0x3  }
0x98: {  	_ =	strace s17  }
0x99: {  	s3 =	sld [smem:$0x3FFC];
	_ =	sdelay $0x3  }
0x9a: {  	_ =	strace s3  }
0x9b: {  	s3 =	sld [smem:$0x3FFD];
	_ =	sdelay $0x3  }
0x9c: {  	_ =	strace s3  }
0x9d: {  	_ =	strace $0x8FFFFFFF  }
0x9e: {  	s18 =	sld [smem:$0x3FDB];
	_ =	sdelay $0x1  }
0x9f: {  	s19 =	simm.s32 $_scs_section_size  }
0xa0: {  	s5 =	simm.s32 $_size__tile_overlayer_lowered;
	s6 =	simm.s32 $_tile_overlayer_lowered  }
0xa1: {  	s22 =	simm.s32 $0x1BFF;
	s21 =	sshll.u32 s6, $0x1;
	s3 =	sadd.s32 s19, s18  }
0xa2: {  	s7 =	simm.s32 $0x0;
	s20 =	sshll.u32 s5, $0x1;
	s5 =	sadd.s32 s21, s3  }
0xa3: {  	[timem:s7], [sflag:s22] =	dma.local [hbm:s5], s20  }
0xa4: {  	_ =	swait.ge [sflag:s22], s20  }
0xa5: {  	s4 =	ssub.s32 $0x0, s20;
	[sflag:s22] =	ssyncset.done $0x0  }
0xa6: {  	[sflag:s22] =	ssyncadd.s32 s4;
	_ =	sdelay $0x1  }
0xa7: {  	s23 =	simm.s32 $0x1B8B  }
0xa8: {  	_ =	swait.ge [sflag:s23], $0x1  }
0xa9: {  	[sflag:s23] =	ssyncset.done $0x0  }
0xaa: {  	s25 =	simm.s32 $0x1B8E;
	s24 =	sld [smem:$0x3FFE];
	[sflag:s23] =	ssyncadd.s32 $0xFFFFFFFF  }
0xab: {  	s26 =	simm.s32 $execute0_lowered;
	[smem:$0x3FD2] =	sst s25  }
0xac: {  	s5 =	sshll.u32 s26, $0x1;
	_ =	strace $0x80000049;
	[dreg:$0x1] =	wrdreg $0xFFFFFFFF  }
0xad: {  	s28 =	simm.s32 $_size_execute0_lowered;
	s3 =	sadd.s32 s3, s5;
	[dreg:$0x0] =	wrdreg $0x0  }
0xae: {  	s5 =	sshll.u32 s28, $0x1;
	[dreg:$0x2] =	wrdreg s3  }
0xaf: {  	[dreg:$0x3] =	wrdreg s5  }
0xb0: {  	[dreg:$0x4] =	wrdreg $0xC0  }
0xb1: {  	_ =	task [dreg:s7], $0x5FFFF  }
0xb2: {  	[dreg:$0x1] =	wrdreg $0xFFFFFFFF  }
0xb3: {  	[dreg:$0x0] =	wrdreg $0x60  }
0xb4: {  	[dreg:$0x2] =	wrdreg s24  }
0xb5: {  	[dreg:$0x3] =	wrdreg s16  }
0xb6: {  	[dreg:$0x4] =	wrdreg $0x9  }
0xb7: {  	_ =	task.clear_ibuf [dreg:s7], $0x5FFFF;
	_ =	strace $0x90000049  }
0xb8: {  	s29 =	simm.s32 $0x9;
	_ =	strace $0x8000004B  }
0xb9: {  	_ =	swait.ge [sflag:s29], $0x1  }
0xba: {  	[sflag:s29] =	ssyncadd.s32 $0xFFFFFFFF  }
0xbb: {  	_ =	strace $0x9000004B  }
0xbc: {  	_ =	sfence  }
0xbd: {  	s30 =	sld [smem:$0x0];
	_ =	sdelay $0x2  }
0xbe: {  	s31 =	sshll.u32 s1, $0xD;
	s1 =	sshrl.u32 s1, $0x2  }
0xbf: {  	s3 =	sand.u32 $0x4000, s31;
	s1 =	sadd.s32 s1, s30  }
0xc0: {  	s0 =	sor.u32 s3, s0;
	s1 =	sshll.u32 s1, $0x11  }
0xc1: {  	s0 =	sor.u32 s1, s0  }
0xc2: {  	s0 =	sadd.s32 $0x8F2B, s0  }
0xc3: {  	[sflag:s0] =	ssyncadd.remote.s32 $0x1  }
0xc4: {  	_ =	sfence.sel $0xFFFF  }
0xc5: {  	[dreg:$0x0] =	wrdreg $0xFFFFFFFF;
	(pc) =	sbr.abs _section_cstart, $3  }
0xc6: {  	[dreg:$0x1] =	wrdreg $0xFFFFFFFF  }
0xc7: {  	_ =	task.clear_ibuf [dreg:s7], $0x2FFFF;
	_ =	strace $0x9FFFFFFF  }
0xc8: {  	(tm) =	ssettm $0x7FFFFFFF  }
0xc9: {  	_ =	shalt  }
tec
execute0_lowered:
.L_overlay_start_1:
0x0: {  	(tag) =	ssettag $0x1  }
0x1: {  	s2 =	srdreg.scid;
	s1 =	rddreg [dreg:$0x0]  }
0x2: {  	s3 =	rddreg [dreg:$0x1];
	s4 =	sand.u32 $0x1, s2;
	s2 =	simm.s32 $0x0  }
0x3: {  	s0 =	stileid.u32;
	s25 =	simm.s32 $0x880;
	[smem:$0x7FF] =	sst s2  }
0x4: {  	s26 =	simm.s32 $0x1080;
	_ =	strace $0x8000004A;
	[dreg:$0x5] =	wrdreg s25  }
0x5: {  	s5 =	sshll.u32 s0, $0x5;
	s0 =	simm.s32 $0x1880;
	[dreg:$0x6] =	wrdreg s26  }
0x6: {  	s7 =	simm.s32 $0x3080;
	[dreg:$0x7] =	wrdreg s0  }
0x7: {  	s8 =	simm.s32 $0x3880;
	[dreg:$0xa] =	wrdreg s7  }
0x8: {  	s9 =	simm.s32 $0x4080;
	[dreg:$0xb] =	wrdreg s8  }
0x9: {  	s10 =	simm.s32 $0x4880;
	[dreg:$0xc] =	wrdreg s9  }
0xa: {  	s11 =	simm.s32 $0x5080;
	[dreg:$0xd] =	wrdreg s10  }
0xb: {  	s12 =	simm.s32 $0x5880;
	[dreg:$0xe] =	wrdreg s11  }
0xc: {  	s13 =	simm.s32 $0x6080;
	[dreg:$0xf] =	wrdreg s12  }
0xd: {  	s14 =	simm.s32 $0x6880;
	[dreg:$0x10] =	wrdreg s13  }
0xe: {  	s15 =	simm.s32 $0x7080;
	[dreg:$0x11] =	wrdreg s14  }
0xf: {  	s16 =	simm.s32 $0x7880;
	s17 =	simm.s32 $0x8080;
	[dreg:$0x12] =	wrdreg s15  }
0x10: {  	s18 =	simm.s32 $0x8880;
	s19 =	simm.s32 $0x9080;
	[dreg:$0x13] =	wrdreg s16  }
0x11: {  	s21 =	simm.s32 $0x9880;
	s22 =	simm.s32 $0xA080;
	[dreg:$0x14] =	wrdreg s17  }
0x12: {  	s23 =	simm.s32 $0xB080;
	s24 =	simm.s32 $0xB880;
	[dreg:$0x15] =	wrdreg s18  }
0x13: {  	s28 =	simm.s32 $0x16080;
	s29 =	simm.s32 $0x16880;
	[dreg:$0x16] =	wrdreg s19  }
0x14: {  	s30 =	simm.s32 $0x17080;
	s31 =	simm.s32 $0x17880;
	[dreg:$0x17] =	wrdreg s21  }
0x15: {  	s6 =	sshll.u32 s4, $0x4;
	s4 =	ssub.s32 $0x2, s4;
	[dreg:$0x18] =	wrdreg s22  }
0x16: {  	s5 =	sor.u32 s6, s5;
	s20 =	sshrl.u32 s4, $0x1;
	[dreg:$0x1a] =	wrdreg s23  }
0x17: {  	s7 =	simm.s32 $0xA880;
	[dreg:$0x1b] =	wrdreg s24;
	s25 =	simm.s32 $0xC080  }
0x18: {  	s8 =	simm.s32 $0x80;
	s26 =	simm.s32 $0xC880;
	s10 =	simm.s32 $0xD880  }
0x19: {  	s11 =	simm.s32 $0xE080;
	s12 =	simm.s32 $0xE880;
	s13 =	simm.s32 $0xF080  }
0x1a: {  	s14 =	simm.s32 $0xF880;
	s15 =	simm.s32 $0x10080;
	s16 =	simm.s32 $0x10880  }
0x1b: {  	s17 =	simm.s32 $0x11080;
	s18 =	simm.s32 $0x11880;
	s19 =	simm.s32 $0x12080  }
0x1c: {  	s21 =	simm.s32 $0x13080;
	s22 =	simm.s32 $0x13880;
	[dreg:$0x19] =	wrdreg s7  }
0x1d: {  	s6 =	sadd.s32 s5, s1;
	s5 =	smul.u32 $0x300, s5;
	[dreg:$0x1c] =	wrdreg s25  }
0x1e: {  	s23 =	simm.s32 $0x14080;
	[dreg:$0x1d] =	wrdreg s26;
	s6 =	sadd.s32 $0x71600, s6  }
0x1f: {  	s24 =	simm.s32 $0x14880;
	[dreg:$0x3] =	wrdreg s6;
	s3 =	sadd.s32 s3, s5  }
0x20: {  	s7 =	simm.s32 $0x2;
	s5 =	simm.s32 $0x2080;
	[dreg:$0x4] =	wrdreg s3  }
0x21: {  	s25 =	simm.s32 $0x15080;
	s6 =	simm.s32 $0x2880;
	[dreg:$0x8] =	wrdreg s5  }
0x22: {  	v2 =	vlaneseq.u32;
	s26 =	simm.s32 $0x15880;
	[dreg:$0x9] =	wrdreg s6;
	s3 =	sadd.s32 $0x79000, s1  }
0x23: {  	vm0 =	vmmov $0xffff;
	v1 =	vshrl.u32 v2, $0x3;
	s6 =	ssub.s32 s4, s20;
	s4 =	sadd.s32 $0x79100, s1;
	s5 =	sadd.s32 $0x79200, s1  }
0x24: {  	v0 =	vand.u32 $0x7, v2;
	v2 =	vor.u32 $0x8, v2;
	v1 =	vmul.u32 $0x8, v1;
	s20 =	simm.s32 $0x12880;
	s1 =	simm.s32 $0x1;
	s6 =	smax.u32 s6, $0x1  }
.LBB2_1:
0x25: {  	s0 =	rddreg [dreg:$0x3]  }
0x26: {  	[tilespmem:s2], [sflag:$0x2] =	stream.linear.gather [hbm4b:s0+s2], $0x80, $0x38;
	[tilespmem:$0x18080] =	vst v63  }
0x27: {  	_ =	swait.ge [sflag:s7], $0x80  }
0x28: {  	[sflag:s7] =	ssyncset.done $0x0  }
0x29: {  	[sflag:s7] =	ssyncadd.s32 $0xFFFFFF80  }
0x2a: {  	v3 =	vld [tilespmem:$0x0];
	_ =	sdelay $0x4  }
0x2b: {  	v4 =	vshrl.u32 v3, $0x3  }
0x2c: {  	v4 =	vmul.u32 $0x30, v4  }
0x2d: {  	v3 =	vand.u32 $0x7, v3  }
0x2e: {  	v3 =	vor.u32 v3, v4  }
0x2f: {  	v4 =	vperm.xlane v3, v0;
	_ =	sdelay $0x1  }
0x30: {  	v4 =	vadd.s32 v1, v4;
	_ =	sdelay $0x3  }
0x31: {  	v3 =	vperm.xlane v3, v2  }
0x32: {  	[tilespmem:s8], [sflag:$0x1] =	stream.indirect_vreg.gather [hbm4b:s3+s2], $0x80, v4, vm0, $0xb8;
	[tilespmem:$0x18080] =	vst v63  }
0x33: {  	s0 =	rddreg [dreg:$0x5];
	v3 =	vadd.s32 v1, v3  }
0x34: {  	[tilespmem:s0], [sflag:$0x1] =	stream.indirect_vreg.gather [hbm4b:s4+s2], $0x80, v4, vm0, $0xb8;
	[tilespmem:$0x18080] =	vst v63  }
0x35: {  	s9 =	rddreg [dreg:$0x6]  }
0x36: {  	[tilespmem:s9], [sflag:$0x1] =	stream.indirect_vreg.gather [hbm4b:s5+s2], $0x80, v4, vm0, $0xb8;
	[tilespmem:$0x18080] =	vst v63  }
0x37: {  	s0 =	rddreg [dreg:$0x7]  }
0x38: {  	[tilespmem:s0], [sflag:$0x1] =	stream.indirect_vreg.gather [hbm4b:s3+s2], $0x80, v3, vm0, $0xb8;
	[tilespmem:$0x18080] =	vst v63  }
0x39: {  	s9 =	rddreg [dreg:$0x8]  }
0x3a: {  	[tilespmem:s9], [sflag:$0x1] =	stream.indirect_vreg.gather [hbm4b:s4+s2], $0x80, v3, vm0, $0xb8;
	[tilespmem:$0x18080] =	vst v63  }
0x3b: {  	s0 =	rddreg [dreg:$0x9]  }
0x3c: {  	[tilespmem:s0], [sflag:$0x1] =	stream.indirect_vreg.gather [hbm4b:s5+s2], $0x80, v3, vm0, $0xb8;
	[tilespmem:$0x18080] =	vst v63  }
0x3d: {  	v3 =	vld [tilespmem:$0x10];
	_ =	sdelay $0x4  }
0x3e: {  	v57 =	vshrl.u32 v3, $0x3  }
0x3f: {  	v4 =	vmul.u32 $0x30, v57  }
0x40: {  	v3 =	vand.u32 $0x7, v3  }
0x41: {  	v3 =	vor.u32 v3, v4  }
0x42: {  	v4 =	vperm.xlane v3, v0;
	_ =	sdelay $0x1  }
0x43: {  	v4 =	vadd.s32 v1, v4;
	_ =	sdelay $0x3  }
0x44: {  	s0 =	rddreg [dreg:$0xa];
	v3 =	vperm.xlane v3, v2  }
0x45: {  	[tilespmem:s0], [sflag:$0x1] =	stream.indirect_vreg.gather [hbm4b:s3+s2], $0x80, v4, vm0, $0xb8;
	[tilespmem:$0x18080] =	vst v63  }
0x46: {  	s9 =	rddreg [dreg:$0xb];
	v3 =	vadd.s32 v1, v3  }
0x47: {  	[tilespmem:s9], [sflag:$0x1] =	stream.indirect_vreg.gather [hbm4b:s4+s2], $0x80, v4, vm0, $0xb8;
	[tilespmem:$0x18080] =	vst v63  }
0x48: {  	s0 =	rddreg [dreg:$0xc]  }
0x49: {  	[tilespmem:s0], [sflag:$0x1] =	stream.indirect_vreg.gather [hbm4b:s5+s2], $0x80, v4, vm0, $0xb8;
	[tilespmem:$0x18080] =	vst v63  }
0x4a: {  	s9 =	rddreg [dreg:$0xd]  }
0x4b: {  	[tilespmem:s9], [sflag:$0x1] =	stream.indirect_vreg.gather [hbm4b:s3+s2], $0x80, v3, vm0, $0xb8;
	[tilespmem:$0x18080] =	vst v63  }
0x4c: {  	s0 =	rddreg [dreg:$0xe]  }
0x4d: {  	[tilespmem:s0], [sflag:$0x1] =	stream.indirect_vreg.gather [hbm4b:s4+s2], $0x80, v3, vm0, $0xb8;
	[tilespmem:$0x18080] =	vst v63  }
0x4e: {  	s9 =	rddreg [dreg:$0xf]  }
0x4f: {  	[tilespmem:s9], [sflag:$0x1] =	stream.indirect_vreg.gather [hbm4b:s5+s2], $0x80, v3, vm0, $0xb8;
	[tilespmem:$0x18080] =	vst v63  }
0x50: {  	v3 =	vld [tilespmem:$0x20];
	_ =	sdelay $0x4  }
0x51: {  	v58 =	vshrl.u32 v3, $0x3  }
0x52: {  	v4 =	vmul.u32 $0x30, v58  }
0x53: {  	v3 =	vand.u32 $0x7, v3  }
0x54: {  	v3 =	vor.u32 v3, v4  }
0x55: {  	v4 =	vperm.xlane v3, v0;
	_ =	sdelay $0x1  }
0x56: {  	v4 =	vadd.s32 v1, v4;
	_ =	sdelay $0x3  }
0x57: {  	s0 =	rddreg [dreg:$0x10];
	v3 =	vperm.xlane v3, v2  }
0x58: {  	[tilespmem:s0], [sflag:$0x1] =	stream.indirect_vreg.gather [hbm4b:s3+s2], $0x80, v4, vm0, $0xb8;
	[tilespmem:$0x18080] =	vst v63  }
0x59: {  	s9 =	rddreg [dreg:$0x11];
	v3 =	vadd.s32 v1, v3  }
0x5a: {  	[tilespmem:s9], [sflag:$0x1] =	stream.indirect_vreg.gather [hbm4b:s4+s2], $0x80, v4, vm0, $0xb8;
	[tilespmem:$0x18080] =	vst v63  }
0x5b: {  	s0 =	rddreg [dreg:$0x12]  }
0x5c: {  	[tilespmem:s0], [sflag:$0x1] =	stream.indirect_vreg.gather [hbm4b:s5+s2], $0x80, v4, vm0, $0xb8;
	[tilespmem:$0x18080] =	vst v63  }
0x5d: {  	s9 =	rddreg [dreg:$0x13]  }
0x5e: {  	[tilespmem:s9], [sflag:$0x1] =	stream.indirect_vreg.gather [hbm4b:s3+s2], $0x80, v3, vm0, $0xb8;
	[tilespmem:$0x18080] =	vst v63  }
0x5f: {  	s0 =	rddreg [dreg:$0x14]  }
0x60: {  	[tilespmem:s0], [sflag:$0x1] =	stream.indirect_vreg.gather [hbm4b:s4+s2], $0x80, v3, vm0, $0xb8;
	[tilespmem:$0x18080] =	vst v63  }
0x61: {  	s9 =	rddreg [dreg:$0x15]  }
0x62: {  	[tilespmem:s9], [sflag:$0x1] =	stream.indirect_vreg.gather [hbm4b:s5+s2], $0x80, v3, vm0, $0xb8;
	[tilespmem:$0x18080] =	vst v63  }
0x63: {  	v3 =	vld [tilespmem:$0x30];
	_ =	sdelay $0x4  }
0x64: {  	v59 =	vshrl.u32 v3, $0x3  }
0x65: {  	v4 =	vmul.u32 $0x30, v59  }
0x66: {  	v3 =	vand.u32 $0x7, v3  }
0x67: {  	v3 =	vor.u32 v3, v4  }
0x68: {  	v4 =	vperm.xlane v3, v0;
	_ =	sdelay $0x1  }
0x69: {  	v4 =	vadd.s32 v1, v4;
	_ =	sdelay $0x3  }
0x6a: {  	s0 =	rddreg [dreg:$0x16];
	v3 =	vperm.xlane v3, v2  }
0x6b: {  	[tilespmem:s0], [sflag:$0x1] =	stream.indirect_vreg.gather [hbm4b:s3+s2], $0x80, v4, vm0, $0xb8;
	[tilespmem:$0x18080] =	vst v63  }
0x6c: {  	s9 =	rddreg [dreg:$0x17];
	v3 =	vadd.s32 v1, v3  }
0x6d: {  	[tilespmem:s9], [sflag:$0x1] =	stream.indirect_vreg.gather [hbm4b:s4+s2], $0x80, v4, vm0, $0xb8;
	[tilespmem:$0x18080] =	vst v63  }
0x6e: {  	s0 =	rddreg [dreg:$0x18]  }
0x6f: {  	[tilespmem:s0], [sflag:$0x1] =	stream.indirect_vreg.gather [hbm4b:s5+s2], $0x80, v4, vm0, $0xb8;
	[tilespmem:$0x18080] =	vst v63  }
0x70: {  	s9 =	rddreg [dreg:$0x19]  }
0x71: {  	[tilespmem:s9], [sflag:$0x1] =	stream.indirect_vreg.gather [hbm4b:s3+s2], $0x80, v3, vm0, $0xb8;
	[tilespmem:$0x18080] =	vst v63  }
0x72: {  	s0 =	rddreg [dreg:$0x1a]  }
0x73: {  	[tilespmem:s0], [sflag:$0x1] =	stream.indirect_vreg.gather [hbm4b:s4+s2], $0x80, v3, vm0, $0xb8;
	[tilespmem:$0x18080] =	vst v63  }
0x74: {  	s9 =	rddreg [dreg:$0x1b]  }
0x75: {  	[tilespmem:s9], [sflag:$0x1] =	stream.indirect_vreg.gather [hbm4b:s5+s2], $0x80, v3, vm0, $0xb8;
	[tilespmem:$0x18080] =	vst v63  }
0x76: {  	v3 =	vld [tilespmem:$0x40];
	_ =	sdelay $0x4  }
0x77: {  	v60 =	vshrl.u32 v3, $0x3  }
0x78: {  	v4 =	vmul.u32 $0x30, v60  }
0x79: {  	v3 =	vand.u32 $0x7, v3  }
0x7a: {  	v3 =	vor.u32 v3, v4  }
0x7b: {  	v4 =	vperm.xlane v3, v0;
	_ =	sdelay $0x1  }
0x7c: {  	v4 =	vadd.s32 v1, v4;
	_ =	sdelay $0x3  }
0x7d: {  	s0 =	rddreg [dreg:$0x1c];
	v3 =	vperm.xlane v3, v2  }
0x7e: {  	[tilespmem:s0], [sflag:$0x1] =	stream.indirect_vreg.gather [hbm4b:s3+s2], $0x80, v4, vm0, $0xb8;
	[tilespmem:$0x18080] =	vst v63  }
0x7f: {  	s9 =	rddreg [dreg:$0x1d];
	v3 =	vadd.s32 v1, v3  }
0x80: {  	[tilespmem:s9], [sflag:$0x1] =	stream.indirect_vreg.gather [hbm4b:s4+s2], $0x80, v4, vm0, $0xb8;
	[tilespmem:$0x18080] =	vst v63  }
0x81: {  	s9 =	simm.s32 $0xD080  }
0x82: {  	[tilespmem:s9], [sflag:$0x1] =	stream.indirect_vreg.gather [hbm4b:s5+s2], $0x80, v4, vm0, $0xb8;
	[tilespmem:$0x18080] =	vst v63  }
0x83: {  	_ = 	snop  }
0x84: {  	[tilespmem:s10], [sflag:$0x1] =	stream.indirect_vreg.gather [hbm4b:s3+s2], $0x80, v3, vm0, $0xb8;
	[tilespmem:$0x18080] =	vst v63  }
0x85: {  	_ = 	snop  }
0x86: {  	[tilespmem:s11], [sflag:$0x1] =	stream.indirect_vreg.gather [hbm4b:s4+s2], $0x80, v3, vm0, $0xb8;
	[tilespmem:$0x18080] =	vst v63  }
0x87: {  	_ = 	snop  }
0x88: {  	[tilespmem:s12], [sflag:$0x1] =	stream.indirect_vreg.gather [hbm4b:s5+s2], $0x80, v3, vm0, $0xb8;
	[tilespmem:$0x18080] =	vst v63  }
0x89: {  	v3 =	vld [tilespmem:$0x50];
	_ =	sdelay $0x4  }
0x8a: {  	v61 =	vshrl.u32 v3, $0x3  }
0x8b: {  	v4 =	vmul.u32 $0x30, v61  }
0x8c: {  	v3 =	vand.u32 $0x7, v3  }
0x8d: {  	v3 =	vor.u32 v3, v4  }
0x8e: {  	v4 =	vperm.xlane v3, v0;
	_ =	sdelay $0x1  }
0x8f: {  	v4 =	vadd.s32 v1, v4;
	_ =	sdelay $0x3  }
0x90: {  	v3 =	vperm.xlane v3, v2  }
0x91: {  	[tilespmem:s13], [sflag:$0x1] =	stream.indirect_vreg.gather [hbm4b:s3+s2], $0x80, v4, vm0, $0xb8;
	[tilespmem:$0x18080] =	vst v63  }
0x92: {  	v3 =	vadd.s32 v1, v3  }
0x93: {  	[tilespmem:s14], [sflag:$0x1] =	stream.indirect_vreg.gather [hbm4b:s4+s2], $0x80, v4, vm0, $0xb8;
	[tilespmem:$0x18080] =	vst v63  }
0x94: {  	_ = 	snop  }
0x95: {  	[tilespmem:s15], [sflag:$0x1] =	stream.indirect_vreg.gather [hbm4b:s5+s2], $0x80, v4, vm0, $0xb8;
	[tilespmem:$0x18080] =	vst v63  }
0x96: {  	_ = 	snop  }
0x97: {  	[tilespmem:s16], [sflag:$0x1] =	stream.indirect_vreg.gather [hbm4b:s3+s2], $0x80, v3, vm0, $0xb8;
	[tilespmem:$0x18080] =	vst v63  }
0x98: {  	_ = 	snop  }
0x99: {  	[tilespmem:s17], [sflag:$0x1] =	stream.indirect_vreg.gather [hbm4b:s4+s2], $0x80, v3, vm0, $0xb8;
	[tilespmem:$0x18080] =	vst v63  }
0x9a: {  	_ = 	snop  }
0x9b: {  	[tilespmem:s18], [sflag:$0x1] =	stream.indirect_vreg.gather [hbm4b:s5+s2], $0x80, v3, vm0, $0xb8;
	[tilespmem:$0x18080] =	vst v63  }
0x9c: {  	v3 =	vld [tilespmem:$0x60];
	_ =	sdelay $0x4  }
0x9d: {  	v62 =	vshrl.u32 v3, $0x3  }
0x9e: {  	v4 =	vmul.u32 $0x30, v62  }
0x9f: {  	v3 =	vand.u32 $0x7, v3  }
0xa0: {  	v3 =	vor.u32 v3, v4  }
0xa1: {  	v4 =	vperm.xlane v3, v0;
	_ =	sdelay $0x1  }
0xa2: {  	v4 =	vadd.s32 v1, v4;
	_ =	sdelay $0x3  }
0xa3: {  	v3 =	vperm.xlane v3, v2  }
0xa4: {  	[tilespmem:s19], [sflag:$0x1] =	stream.indirect_vreg.gather [hbm4b:s3+s2], $0x80, v4, vm0, $0xb8;
	[tilespmem:$0x18080] =	vst v63  }
0xa5: {  	v3 =	vadd.s32 v1, v3  }
0xa6: {  	[tilespmem:s20], [sflag:$0x1] =	stream.indirect_vreg.gather [hbm4b:s4+s2], $0x80, v4, vm0, $0xb8;
	[tilespmem:$0x18080] =	vst v63  }
0xa7: {  	_ = 	snop  }
0xa8: {  	[tilespmem:s21], [sflag:$0x1] =	stream.indirect_vreg.gather [hbm4b:s5+s2], $0x80, v4, vm0, $0xb8;
	[tilespmem:$0x18080] =	vst v63  }
0xa9: {  	_ = 	snop  }
0xaa: {  	[tilespmem:s22], [sflag:$0x1] =	stream.indirect_vreg.gather [hbm4b:s3+s2], $0x80, v3, vm0, $0xb8;
	[tilespmem:$0x18080] =	vst v63  }
0xab: {  	_ = 	snop  }
0xac: {  	[tilespmem:s23], [sflag:$0x1] =	stream.indirect_vreg.gather [hbm4b:s4+s2], $0x80, v3, vm0, $0xb8;
	[tilespmem:$0x18080] =	vst v63  }
0xad: {  	_ = 	snop  }
0xae: {  	[tilespmem:s24], [sflag:$0x1] =	stream.indirect_vreg.gather [hbm4b:s5+s2], $0x80, v3, vm0, $0xb8;
	[tilespmem:$0x18080] =	vst v63  }
0xaf: {  	v3 =	vld [tilespmem:$0x70];
	_ =	sdelay $0x4  }
0xb0: {  	v63 =	vshrl.u32 v3, $0x3  }
0xb1: {  	v4 =	vmul.u32 $0x30, v63  }
0xb2: {  	v3 =	vand.u32 $0x7, v3  }
0xb3: {  	v3 =	vor.u32 v3, v4  }
0xb4: {  	v4 =	vperm.xlane v3, v0;
	_ =	sdelay $0x1  }
0xb5: {  	v4 =	vadd.s32 v1, v4;
	_ =	sdelay $0x3  }
0xb6: {  	v3 =	vperm.xlane v3, v2  }
0xb7: {  	[tilespmem:s25], [sflag:$0x1] =	stream.indirect_vreg.gather [hbm4b:s3+s2], $0x80, v4, vm0, $0xb8;
	[tilespmem:$0x18080] =	vst v63  }
0xb8: {  	v3 =	vadd.s32 v1, v3  }
0xb9: {  	[tilespmem:s26], [sflag:$0x1] =	stream.indirect_vreg.gather [hbm4b:s4+s2], $0x80, v4, vm0, $0xb8;
	[tilespmem:$0x18080] =	vst v63  }
0xba: {  	_ = 	snop  }
0xbb: {  	[tilespmem:s28], [sflag:$0x1] =	stream.indirect_vreg.gather [hbm4b:s5+s2], $0x80, v4, vm0, $0xb8;
	[tilespmem:$0x18080] =	vst v63  }
0xbc: {  	_ = 	snop  }
0xbd: {  	[tilespmem:s29], [sflag:$0x1] =	stream.indirect_vreg.gather [hbm4b:s3+s2], $0x80, v3, vm0, $0xb8;
	[tilespmem:$0x18080] =	vst v63  }
0xbe: {  	_ = 	snop  }
0xbf: {  	[tilespmem:s30], [sflag:$0x1] =	stream.indirect_vreg.gather [hbm4b:s4+s2], $0x80, v3, vm0, $0xb8;
	[tilespmem:$0x18080] =	vst v63  }
0xc0: {  	_ = 	snop  }
0xc1: {  	[tilespmem:s31], [sflag:$0x1] =	stream.indirect_vreg.gather [hbm4b:s5+s2], $0x80, v3, vm0, $0xb8;
	[tilespmem:$0x18080] =	vst v63  }
0xc2: {  	_ =	swait.ge [sflag:s1], $0x18000  }
0xc3: {  	p0 =	sne.s32 s6, $0x1;
	[sflag:s1] =	ssyncset.done $0x0  }
.Ltmp0:
0xc4: {  	s9 =	rddreg [dreg:$0x4];
	[sflag:s1] =	ssyncadd.s32 $0xFFFE8000;
	(pc) =	sbr.rel @p0 .LBB2_1-.Ltmp0, $4  }
0xc5: {  	[hbm4b:s9+s2] =	stream.linear.scatter [tilespmem:s8], [sflag:$0x2], $0x18000, $0x38;
	[tilespmem:$0x18080] =	vst v63  }
0xc6: {  	_ =	swait.ge [sflag:s7], $0x18000  }
0xc7: {  	[sflag:s7] =	ssyncset.done $0x0  }
0xc8: {  	s6 =	sadd.s32 $0xFFFFFFFF, s6;
	[sflag:s7] =	ssyncadd.s32 $0xFFFE8000  }
0xc9: {  	_ =	sfence.sel $0x180000  }
0xca: {  	[bflag:$0x0] =	sbarrier.arrive $0xFFFF  }
0xcb: {  	_ =	strace $0x9000004A  }
0xcc: {  	s0 =	stileid.u32;
	[bflag:$0x2] =	sbarrier.arrive $0xFFFF  }
0xcd: {  	p0 =	sne.s32 s0, $0x0;
	s0 =	rddreg [dreg:$0x2]  }
0xce: {  	s0 =	sadd.s32 @!p0 $0x100000, s0  }
0xcf: {  	[sflag:s0] =	ssyncadd.tile.s32 @!p0 $0x1;
	_ =	shalt  }
.Lfunc_end2:
_tile_overlayer_lowered:
.L_overlay_start_2:
0xd0: {  	(tag) =	ssettag $0x2  }
0xd1: {  	s0 =	rddreg [dreg:$0x0];
	s2 =	stileid.u32  }
0xd2: {  	s1 =	rddreg [dreg:$0x1];
	p0 =	sne.s32 s2, $0x0  }
0xd3: {  	s3 =	rddreg [dreg:$0x2];
	[bflag:$0x3] =	sbarrier.arrive $0xFFFF;
	s2 =	simm.s32 @!p0 $0x1C02  }
0xd4: {  	[timem:s3], [sflag:s2] =	dma.local @!p0 [hbm:s0], s1  }
0xd5: {  	s0 =	simm.s32 @!p0 $0x2  }
0xd6: {  	_ =	swait.ge @!p0 [sflag:s0], s1  }
0xd7: {  	s1 =	ssub.s32 @!p0 $0x0, s1;
	[sflag:s0] =	ssyncset.done @!p0 $0x0  }
0xd8: {  	[sflag:s0] =	ssyncadd.s32 @!p0 s1  }
0xd9: {  	[bflag:$0x3] =	sbarrier.arrive $0xFFFF  }
0xda: {  	_ =	shalt  }

</sc_bundles>
